<compile_context>
chip_gen: v7x
topology: tpu7x:2x2x1
jax: 0.10.2.dev20260603
libtpu: 0.0.44.dev20260713+nightly
codegen_flags: <defaults>
</compile_context>

<pallas_src>
import functools

import jax
import jax.numpy as jnp
from jax import lax
from jax.experimental import pallas as pl
from jax.experimental.pallas import tpu as pltpu
from jax.experimental.pallas import tpu_sc as plsc

B = 1024
S = 200
C = 4
H = 64
HALF = 2
BH = B // HALF
T = BH * S
N = T * C
NW = 32
ROWS_PER_W = N // NW
CHUNK = 128
NCHUNK = ROWS_PER_W // CHUNK

_sc_mesh = plsc.VectorSubcoreMesh(core_axis_name="c", subcore_axis_name="s")

V = 1000000
_VB = 2048
_TR_GRID = 245
VSPLIT = _VB * _TR_GRID


def _tr_body(wa_ref, wb_ref, out_ref):
    a = lax.transpose(wa_ref[...], (1, 0))
    b = lax.transpose(wb_ref[...], (1, 0))
    out_ref[...] = jnp.concatenate([a, b], axis=1)


def _tc_detranspose(wt):
    return pl.pallas_call(
        _tr_body,
        grid=(_TR_GRID,),
        in_specs=[
            pl.BlockSpec((H, _VB), lambda i: (0, i)),
            pl.BlockSpec((H, _VB),
                         lambda i: (0, jnp.minimum(_TR_GRID + i, V // _VB))),
        ],
        out_specs=pl.BlockSpec((_VB, 128), lambda i: (i, 0)),
        out_shape=jax.ShapeDtypeStruct((VSPLIT, 128), jnp.float32),
    )(wt, wt)


@functools.partial(
    pl.kernel,
    out_type=jax.ShapeDtypeStruct((C, T, H), jnp.float32),
    mesh=_sc_mesh,
    scratch_types=[
        pltpu.VMEM((NCHUNK, CHUNK), jnp.int32),
        pltpu.VMEM((CHUNK, H), jnp.float32),
        pltpu.VMEM((CHUNK, H), jnp.float32),
        pltpu.SemaphoreType.DMA,
        pltpu.SemaphoreType.DMA,
    ],
    compiler_params=pltpu.CompilerParams(use_tc_tiling_on_sc=False),
)
def _sc_gather(x_hbm, table_hbm, out_hbm, idx_v, rows0, rows1, sem0, sem1):
    wid = lax.axis_index("s") * 2 + lax.axis_index("c")
    ch = wid // 8
    base = (wid % 8) * ROWS_PER_W
    pltpu.sync_copy(x_hbm.at[wid], idx_v)
    pltpu.async_copy(table_hbm.at[idx_v.at[0]], rows0, sem0)

    @pl.loop(0, NCHUNK, step=2)
    def _chunk(j):
        pltpu.make_async_copy(table_hbm.at[idx_v.at[j]], rows0, sem0).wait()
        pltpu.async_copy(table_hbm.at[idx_v.at[j + 1]], rows1, sem1)
        pltpu.sync_copy(rows0, out_hbm.at[ch, pl.ds(base + j * CHUNK, CHUNK)])
        pltpu.make_async_copy(
            table_hbm.at[idx_v.at[j + 1]], rows1, sem1).wait()

        @pl.when(j + 2 < NCHUNK)
        def _():
            pltpu.async_copy(table_hbm.at[idx_v.at[j + 2]], rows0, sem0)

        pltpu.sync_copy(
            rows1, out_hbm.at[ch, pl.ds(base + (j + 1) * CHUNK, CHUNK)])


TP = T // 2
_PAIR_BLK = 800
_GRID = TP // _PAIR_BLK


def _tc_body(g_ref, pce_ref, fw_ref, lng_ref, fcw_ref, fcb2_ref, flng2_ref,
             flnb2_ref, out_ref):
    f32 = jnp.float32
    r = lax.broadcasted_iota(jnp.int32, (128, 128), 0)
    c2 = lax.broadcasted_iota(jnp.int32, (128, 128), 1)
    mavg = jnp.where((r < 64) == (c2 < 64), 1.0 / 64, 0.0).astype(f32)

    fw = fw_ref[...]
    e = jnp.exp(fw - jnp.max(fw))
    w = e / jnp.sum(e)

    def ln_stats(y):
        m = lax.dot_general(y, mavg, (((1,), (0,)), ((), ())),
                            preferred_element_type=f32)
        d = y - m
        v = lax.dot_general(d * d, mavg, (((1,), (0,)), ((), ())),
                            preferred_element_type=f32)
        return d * lax.rsqrt(v + 1e-5)

    t = None
    for c in range(C):
        z = ln_stats(g_ref[c] + pce_ref[c])
        zc = z * w[0, c]
        t = zc if t is None else t + zc
    zg = t * lng_ref[...]

    fcw = fcw_ref[...]
    ha = lax.dot_general(zg[:, :H], fcw, (((1,), (1,)), ((), ())),
                         preferred_element_type=f32)
    hb = lax.dot_general(zg[:, H:], fcw, (((1,), (1,)), ((), ())),
                         preferred_element_type=f32)
    h = jnp.concatenate([ha, hb], axis=1) + fcb2_ref[...]
    out = ln_stats(h)
    out_ref[...] = out * flng2_ref[...] + flnb2_ref[...]


def _tc_fuse(g2, pce, fuse_w, lng2, fc_W, fcb2, flng2, flnb2):
    const = lambda shape: pl.BlockSpec(shape, lambda i: (0,) * len(shape))
    return pl.pallas_call(
        _tc_body,
        grid=(_GRID,),
        in_specs=[
            pl.BlockSpec((C, _PAIR_BLK, 128), lambda i: (0, i, 0)),
            const((C, _PAIR_BLK, 128)),
            const((1, C)),
            const((1, 128)),
            const((H, H)),
            const((1, 128)),
            const((1, 128)),
            const((1, 128)),
        ],
        out_specs=pl.BlockSpec((_PAIR_BLK, 128), lambda i: (i, 0)),
        out_shape=jax.ShapeDtypeStruct((TP, 128), jnp.float32),
    )(g2, pce, fuse_w, lng2, fc_W, fcb2, flng2, flnb2)


def kernel(x, masks, word_emb, pos_emb, chan_emb, ln_g, ln_b, fuse_w, fc_W,
           fc_b, fln_g, fln_b):
    pce = (pos_emb[None, :, :] + chan_emb[:, None, :]).reshape(C, S // 2, 128)
    pce = jnp.tile(pce, (1, _PAIR_BLK // (S // 2), 1))
    pair = lambda v: jnp.concatenate([v, v]).reshape(1, 128)
    fcb2 = pair(ln_b @ fc_W.T + fc_b)

    w2 = _tc_detranspose(word_emb.T)
    w2lin = w2.reshape(2 * VSPLIT, H)
    xi = jnp.where(x < VSPLIT, 2 * x, 2 * (x - VSPLIT) + 1)

    outs = []
    for k in range(HALF):
        xk = lax.slice_in_dim(xi, k * BH, (k + 1) * BH, axis=0)
        xt = xk.transpose(2, 0, 1).reshape(NW, NCHUNK, CHUNK)
        g = _sc_gather(xt, w2lin)
        g2 = g.reshape(C, TP, 128)
        outs.append(_tc_fuse(
            g2, pce, fuse_w.reshape(1, C), pair(ln_g), fc_W,
            fcb2, pair(fln_g), pair(fln_b),
        ))
    out = jnp.concatenate(outs, axis=0)
    return (out.reshape(B, S, H), masks)

# --- scband reference (transcript-rebuilt; emitter-appended) ---
"""Pipeline reference for scband-ark-encoder-32478542692489 (READ-ONLY COPY).

The authoritative reference and input builder live on the scoring server;
editing this copy changes nothing except your own understanding.
"""

import jax, jax.numpy as jnp
import numpy as np

VOCAB = 1000000
HIDDEN = 64
NUM_CH = 4
STEPS = 200
BATCH = 1024


def _layer_norm(x, g, b, eps=1e-5):
    m = jnp.mean(x, axis=-1, keepdims=True)
    v = jnp.mean((x - m) ** 2, axis=-1, keepdims=True)
    return (x - m) / jnp.sqrt(v + eps) * g + b


def setup_inputs(seed: int = 0) -> dict:
    key = jax.random.key(seed)
    ks = jax.random.split(key, 10)
    x = jax.random.randint(ks[0], (BATCH, STEPS, NUM_CH), 0, VOCAB, dtype=jnp.int64 if jax.config.jax_enable_x64 else jnp.int32).astype(jnp.int32)
    masks = jnp.ones((BATCH, STEPS), dtype=jnp.bool_)
    word_emb = jax.random.normal(ks[1], (VOCAB, HIDDEN), dtype=jnp.float32) * 0.02
    pos_emb = jax.random.normal(ks[2], (STEPS, HIDDEN), dtype=jnp.float32) * 0.02
    chan_emb = jax.random.normal(ks[3], (NUM_CH, HIDDEN), dtype=jnp.float32) * 0.02
    ln_g = jnp.ones((HIDDEN,), dtype=jnp.float32)
    ln_b = jnp.zeros((HIDDEN,), dtype=jnp.float32)
    fuse_w = jax.random.normal(ks[4], (NUM_CH,), dtype=jnp.float32)
    fc_W = jax.random.normal(ks[5], (HIDDEN, HIDDEN), dtype=jnp.float32) * (1.0 / np.sqrt(HIDDEN))
    fc_b = jnp.zeros((HIDDEN,), dtype=jnp.float32)
    fln_g = jnp.ones((HIDDEN,), dtype=jnp.float32)
    fln_b = jnp.zeros((HIDDEN,), dtype=jnp.float32)
    return {"x": x, "masks": masks, "word_emb": word_emb, "pos_emb": pos_emb,
            "chan_emb": chan_emb, "ln_g": ln_g, "ln_b": ln_b, "fuse_w": fuse_w,
            "fc_W": fc_W, "fc_b": fc_b, "fln_g": fln_g, "fln_b": fln_b}


def reference(x, masks, word_emb, pos_emb, chan_emb, ln_g, ln_b, fuse_w, fc_W, fc_b, fln_g, fln_b):
    # word embedding gather: (B, S, C, H)
    we = jnp.take(word_emb, x, axis=0)
    # position embedding: position = arange(S) repeated over channels -> (S, C, H)
    pe = jnp.take(pos_emb, jnp.arange(STEPS, dtype=jnp.int32), axis=0)[:, None, :]
    pe = jnp.broadcast_to(pe, (STEPS, NUM_CH, HIDDEN))
    # channel embedding: (C, H)
    ce = jnp.take(chan_emb, jnp.arange(NUM_CH, dtype=jnp.int32), axis=0)
    x_emb = we + pe[None, :, :, :] + ce[None, None, :, :]
    x_emb = _layer_norm(x_emb, ln_g, ln_b)
    # dropout with p=0 is identity
    # FusionChannel: softmax channel weights -> weighted sum over channel dim,
    # then linear + layer norm (dropout p=0)
    w = jax.nn.softmax(fuse_w)
    fused = jnp.sum(x_emb * w[None, None, :, None], axis=2)  # (B, S, H)
    out = fused @ fc_W.T + fc_b
    out = _layer_norm(out, fln_g, fln_b)
    return (out, masks)

if __name__ == "__main__":
    import jax
    _d = setup_inputs()
    print(jax.jit(kernel)(*tuple(_d.values())))

</pallas_src>

<mosaic_0001>
#map = affine_map<(d0, d1) -> (0, 0, 0)>
#map1 = affine_map<(d0, d1) -> (0, 0)>
module attributes {stable_mosaic.version = 14 : i64} {
  func.func @_sc_gather(%arg0: i32, %arg1: i32, %arg2: memref<32x100x128xi32, #tpu.memory_space<hbm>>, %arg3: memref<1003520x64xf32, #tpu.memory_space<hbm>>, %arg4: memref<4x102400x64xf32, #tpu.memory_space<hbm>>, %arg5: memref<100x128xi32, #tpu.memory_space<vmem>>, %arg6: memref<128x64xf32, #tpu.memory_space<vmem>>, %arg7: memref<128x64xf32, #tpu.memory_space<vmem>>, %arg8: memref<!tpu.dma_semaphore, #tpu.memory_space<semaphore_mem>>, %arg9: memref<!tpu.dma_semaphore, #tpu.memory_space<semaphore_mem>>) attributes {dimension_semantics = [#tpu.dimension_semantics<core_parallel>, #tpu.dimension_semantics<subcore_parallel>], iteration_bounds = array<i64: 2, 16>, scalar_prefetch = 0 : i64, scratch_operands = 5 : i64, tpu.core_type = #tpu.core_type<sc_vector_subcore>, window_params = [{transform_indices = #map}, {transform_indices = #map1}, {transform_indices = #map}]} {
    %mul3A = arith.constant 2 : i32
    %mul3A_0 = arith.muli %arg1, %mul3A : i32
    %add3A = arith.addi %mul3A_0, %arg0 : i32
    %jit3A = arith.constant 8 : i32
    %div3A = arith.divsi %add3A, %jit3A : i32
    %sign3A = arith.constant 0 : i32
    %sign3A_1 = arith.cmpi sgt, %add3A, %sign3A : i32
    %sign3A_2 = arith.extui %sign3A_1 : i1 to i32
    %sign3A_3 = arith.constant 0 : i32
    %sign3A_4 = arith.cmpi slt, %add3A, %sign3A_3 : i32
    %sign3A_5 = arith.extui %sign3A_4 : i1 to i32
    %sign3A_6 = arith.subi %sign3A_2, %sign3A_5 : i32
    %sign3A_7 = arith.constant 0 : i32
    %sign3A_8 = arith.cmpi sgt, %jit3A, %sign3A_7 : i32
    %sign3A_9 = arith.extui %sign3A_8 : i1 to i32
    %sign3A_10 = arith.constant 0 : i32
    %sign3A_11 = arith.cmpi slt, %jit3A, %sign3A_10 : i32
    %sign3A_12 = arith.extui %sign3A_11 : i1 to i32
    %sign3A_13 = arith.subi %sign3A_9, %sign3A_12 : i32
    %ne3A = arith.cmpi ne, %sign3A_6, %sign3A_13 : i32
    %rem3A = arith.remsi %add3A, %jit3A : i32
    %ne3A_14 = arith.constant 0 : i32
    %ne3A_15 = arith.cmpi ne, %rem3A, %ne3A_14 : i32
    %and3A = arith.andi %ne3A, %ne3A_15 : i1
    %sub3A = arith.constant 1 : i32
    %sub3A_16 = arith.subi %div3A, %sub3A : i32
    %select_n3A = arith.select %and3A, %sub3A_16, %div3A : i32
    %jit3A_17 = arith.constant 8 : i32
    %eq3A = arith.constant 0 : i32
    %eq3A_18 = arith.cmpi eq, %jit3A_17, %eq3A : i32
    %jit3A_19 = arith.constant 1 : i32
    %select_n3A_20 = arith.select %eq3A_18, %jit3A_19, %jit3A_17 : i32
    %rem3A_21 = arith.remsi %add3A, %select_n3A_20 : i32
    %ne3A_22 = arith.constant 0 : i32
    %ne3A_23 = arith.cmpi ne, %rem3A_21, %ne3A_22 : i32
    %lt3A = arith.constant 0 : i32
    %lt3A_24 = arith.cmpi slt, %rem3A_21, %lt3A : i32
    %lt3A_25 = arith.constant 0 : i32
    %lt3A_26 = arith.cmpi slt, %select_n3A_20, %lt3A_25 : i32
    %ne3A_27 = arith.xori %lt3A_24, %lt3A_26 : i1
    %and3A_28 = arith.andi %ne3A_27, %ne3A_23 : i1
    %add3A_29 = arith.addi %rem3A_21, %select_n3A_20 : i32
    %select_n3A_30 = arith.select %and3A_28, %add3A_29, %rem3A_21 : i32
    %mul3A_31 = arith.constant 12800 : i32
    %mul3A_32 = arith.muli %select_n3A_30, %mul3A_31 : i32
    "tpu.region"() ({
      %run_scoped3A = tpu.sem_alloc : memref<!tpu.dma_semaphore, #tpu.memory_space<semaphore_mem>>
      %dma_start3A_43 = arith.constant 0 : i32
      %dma_start3A_44 = arith.constant 0 : i32
      %dma_start3A_45 = tpu.memref_slice %arg2[%add3A, %dma_start3A_43, %dma_start3A_44] : memref<32x100x128xi32, #tpu.memory_space<hbm>> -> memref<1x100x128xi32, #tpu.memory_space<hbm>>
      %dma_start3A_46 = tpu.memref_squeeze %dma_start3A_45 : memref<1x100x128xi32, #tpu.memory_space<hbm>> -> memref<100x128xi32, #tpu.memory_space<hbm>>
      %dma_start3A_47 = arith.constant 0 : i32
      %dma_start3A_48 = arith.constant 0 : i32
      %dma_start3A_49 = tpu.memref_slice %arg2[%add3A, %dma_start3A_47, %dma_start3A_48] : memref<32x100x128xi32, #tpu.memory_space<hbm>> -> memref<1x100x128xi32, #tpu.memory_space<hbm>>
      %dma_start3A_50 = tpu.memref_squeeze %dma_start3A_49 : memref<1x100x128xi32, #tpu.memory_space<hbm>> -> memref<100x128xi32, #tpu.memory_space<hbm>>
      tpu.enqueue_dma source(%dma_start3A_50 : memref<100x128xi32, #tpu.memory_space<hbm>>) target(%arg5 : memref<100x128xi32, #tpu.memory_space<vmem>>) target_semaphore(%run_scoped3A : memref<!tpu.dma_semaphore, #tpu.memory_space<semaphore_mem>>)
      %dma_wait3A = arith.constant 0 : i32
      %dma_wait3A_51 = arith.constant 0 : i32
      %dma_wait3A_52 = tpu.memref_slice %arg2[%add3A, %dma_wait3A, %dma_wait3A_51] : memref<32x100x128xi32, #tpu.memory_space<hbm>> -> memref<1x100x128xi32, #tpu.memory_space<hbm>>
      %dma_wait3A_53 = tpu.memref_squeeze %dma_wait3A_52 : memref<1x100x128xi32, #tpu.memory_space<hbm>> -> memref<100x128xi32, #tpu.memory_space<hbm>>
      %dma_wait3A_54 = arith.constant 0 : i32
      %dma_wait3A_55 = arith.constant 0 : i32
      %dma_wait3A_56 = tpu.memref_slice %arg2[%add3A, %dma_wait3A_54, %dma_wait3A_55] : memref<32x100x128xi32, #tpu.memory_space<hbm>> -> memref<1x100x128xi32, #tpu.memory_space<hbm>>
      %dma_wait3A_57 = tpu.memref_squeeze %dma_wait3A_56 : memref<1x100x128xi32, #tpu.memory_space<hbm>> -> memref<100x128xi32, #tpu.memory_space<hbm>>
      tpu.wait_dma2 semaphore(%run_scoped3A : memref<!tpu.dma_semaphore, #tpu.memory_space<semaphore_mem>>) src(%dma_wait3A_57 : memref<100x128xi32, #tpu.memory_space<hbm>>) dst(%arg5 : memref<100x128xi32, #tpu.memory_space<vmem>>)
      tpu.yield
    }) : () -> ()
    %dma_start3A = arith.constant 0 : i32
    %dma_start3A_33 = arith.constant 0 : i32
    %dma_start3A_34 = tpu.memref_slice %arg5[%dma_start3A, %dma_start3A_33] : memref<100x128xi32, #tpu.memory_space<vmem>> -> memref<1x128xi32, #tpu.memory_space<vmem>>
    %dma_start3A_35 = tpu.memref_squeeze %dma_start3A_34 : memref<1x128xi32, #tpu.memory_space<vmem>> -> memref<128xi32, #tpu.memory_space<vmem>>
    %dma_start3A_36 = arith.constant 0 : i32
    %dma_start3A_37 = arith.constant 0 : i32
    %dma_start3A_38 = tpu.memref_slice %arg3[%dma_start3A_36, %dma_start3A_37] : memref<1003520x64xf32, #tpu.memory_space<hbm>> -> memref<1003520x64xf32, #tpu.memory_space<hbm>>
    tpu.enqueue_indirect_dma source(%dma_start3A_38 : memref<1003520x64xf32, #tpu.memory_space<hbm>>) target(%arg6 : memref<128x64xf32, #tpu.memory_space<vmem>>) offsets(%dma_start3A_35 : memref<128xi32, #tpu.memory_space<vmem>>) semaphore(%arg8 : memref<!tpu.dma_semaphore, #tpu.memory_space<semaphore_mem>>)
    %scan3A = arith.constant 0 : i32
    %scan3A_39 = arith.constant 50 : i32
    %scan3A_40 = arith.addi %scan3A, %scan3A_39 : i32
    %scan3A_41 = arith.constant 1 : i32
    scf.for %scan3A_43 = %scan3A to %scan3A_40 step %scan3A_41  : i32 {
      %mul3A_44 = arith.constant 2 : i32
      %mul3A_45 = arith.muli %scan3A_43, %mul3A_44 : i32
      %add3A_46 = arith.constant 0 : i32
      %add3A_47 = arith.addi %add3A_46, %mul3A_45 : i32
      %dma_wait3A = arith.constant 0 : i32
      %dma_wait3A_48 = tpu.memref_slice %arg5[%add3A_47, %dma_wait3A] : memref<100x128xi32, #tpu.memory_space<vmem>> -> memref<1x128xi32, #tpu.memory_space<vmem>>
      %dma_wait3A_49 = tpu.memref_squeeze %dma_wait3A_48 : memref<1x128xi32, #tpu.memory_space<vmem>> -> memref<128xi32, #tpu.memory_space<vmem>>
      %dma_wait3A_50 = arith.constant 0 : i32
      %dma_wait3A_51 = arith.constant 0 : i32
      %dma_wait3A_52 = tpu.memref_slice %arg3[%dma_wait3A_50, %dma_wait3A_51] : memref<1003520x64xf32, #tpu.memory_space<hbm>> -> memref<1003520x64xf32, #tpu.memory_space<hbm>>
      tpu.wait_indirect_dma semaphore(%arg8 : memref<!tpu.dma_semaphore, #tpu.memory_space<semaphore_mem>>) src(%dma_wait3A_52 : memref<1003520x64xf32, #tpu.memory_space<hbm>>) dst(%arg6 : memref<128x64xf32, #tpu.memory_space<vmem>>)
      %add3A_53 = arith.constant 1 : i32
      %add3A_54 = arith.addi %add3A_47, %add3A_53 : i32
      %dma_start3A_55 = arith.constant 0 : i32
      %dma_start3A_56 = tpu.memref_slice %arg5[%add3A_54, %dma_start3A_55] : memref<100x128xi32, #tpu.memory_space<vmem>> -> memref<1x128xi32, #tpu.memory_space<vmem>>
      %dma_start3A_57 = tpu.memref_squeeze %dma_start3A_56 : memref<1x128xi32, #tpu.memory_space<vmem>> -> memref<128xi32, #tpu.memory_space<vmem>>
      %dma_start3A_58 = arith.constant 0 : i32
      %dma_start3A_59 = arith.constant 0 : i32
      %dma_start3A_60 = tpu.memref_slice %arg3[%dma_start3A_58, %dma_start3A_59] : memref<1003520x64xf32, #tpu.memory_space<hbm>> -> memref<1003520x64xf32, #tpu.memory_space<hbm>>
      tpu.enqueue_indirect_dma source(%dma_start3A_60 : memref<1003520x64xf32, #tpu.memory_space<hbm>>) target(%arg7 : memref<128x64xf32, #tpu.memory_space<vmem>>) offsets(%dma_start3A_57 : memref<128xi32, #tpu.memory_space<vmem>>) semaphore(%arg9 : memref<!tpu.dma_semaphore, #tpu.memory_space<semaphore_mem>>)
      %mul3A_61 = arith.constant 128 : i32
      %mul3A_62 = arith.muli %add3A_47, %mul3A_61 : i32
      %add3A_63 = arith.addi %mul3A_32, %mul3A_62 : i32
      "tpu.region"() ({
        %run_scoped3A = tpu.sem_alloc : memref<!tpu.dma_semaphore, #tpu.memory_space<semaphore_mem>>
        %dma_start3A_82 = arith.constant 0 : i32
        %dma_start3A_83 = tpu.memref_slice %arg4[%select_n3A, %add3A_63, %dma_start3A_82] : memref<4x102400x64xf32, #tpu.memory_space<hbm>> -> memref<1x128x64xf32, #tpu.memory_space<hbm>>
        %dma_start3A_84 = tpu.memref_squeeze %dma_start3A_83 : memref<1x128x64xf32, #tpu.memory_space<hbm>> -> memref<128x64xf32, #tpu.memory_space<hbm>>
        %dma_start3A_85 = arith.constant 0 : i32
        %dma_start3A_86 = tpu.memref_slice %arg4[%select_n3A, %add3A_63, %dma_start3A_85] : memref<4x102400x64xf32, #tpu.memory_space<hbm>> -> memref<1x128x64xf32, #tpu.memory_space<hbm>>
        %dma_start3A_87 = tpu.memref_squeeze %dma_start3A_86 : memref<1x128x64xf32, #tpu.memory_space<hbm>> -> memref<128x64xf32, #tpu.memory_space<hbm>>
        tpu.enqueue_dma source(%arg6 : memref<128x64xf32, #tpu.memory_space<vmem>>) target(%dma_start3A_87 : memref<128x64xf32, #tpu.memory_space<hbm>>) target_semaphore(%run_scoped3A : memref<!tpu.dma_semaphore, #tpu.memory_space<semaphore_mem>>)
        %dma_wait3A_88 = arith.constant 0 : i32
        %dma_wait3A_89 = tpu.memref_slice %arg4[%select_n3A, %add3A_63, %dma_wait3A_88] : memref<4x102400x64xf32, #tpu.memory_space<hbm>> -> memref<1x128x64xf32, #tpu.memory_space<hbm>>
        %dma_wait3A_90 = tpu.memref_squeeze %dma_wait3A_89 : memref<1x128x64xf32, #tpu.memory_space<hbm>> -> memref<128x64xf32, #tpu.memory_space<hbm>>
        %dma_wait3A_91 = arith.constant 0 : i32
        %dma_wait3A_92 = tpu.memref_slice %arg4[%select_n3A, %add3A_63, %dma_wait3A_91] : memref<4x102400x64xf32, #tpu.memory_space<hbm>> -> memref<1x128x64xf32, #tpu.memory_space<hbm>>
        %dma_wait3A_93 = tpu.memref_squeeze %dma_wait3A_92 : memref<1x128x64xf32, #tpu.memory_space<hbm>> -> memref<128x64xf32, #tpu.memory_space<hbm>>
        tpu.wait_dma2 semaphore(%run_scoped3A : memref<!tpu.dma_semaphore, #tpu.memory_space<semaphore_mem>>) src(%arg6 : memref<128x64xf32, #tpu.memory_space<vmem>>) dst(%dma_wait3A_93 : memref<128x64xf32, #tpu.memory_space<hbm>>)
        tpu.yield
      }) : () -> ()
      %add3A_64 = arith.constant 1 : i32
      %add3A_65 = arith.addi %add3A_47, %add3A_64 : i32
      %dma_wait3A_66 = arith.constant 0 : i32
      %dma_wait3A_67 = tpu.memref_slice %arg5[%add3A_65, %dma_wait3A_66] : memref<100x128xi32, #tpu.memory_space<vmem>> -> memref<1x128xi32, #tpu.memory_space<vmem>>
      %dma_wait3A_68 = tpu.memref_squeeze %dma_wait3A_67 : memref<1x128xi32, #tpu.memory_space<vmem>> -> memref<128xi32, #tpu.memory_space<vmem>>
      %dma_wait3A_69 = arith.constant 0 : i32
      %dma_wait3A_70 = arith.constant 0 : i32
      %dma_wait3A_71 = tpu.memref_slice %arg3[%dma_wait3A_69, %dma_wait3A_70] : memref<1003520x64xf32, #tpu.memory_space<hbm>> -> memref<1003520x64xf32, #tpu.memory_space<hbm>>
      tpu.wait_indirect_dma semaphore(%arg9 : memref<!tpu.dma_semaphore, #tpu.memory_space<semaphore_mem>>) src(%dma_wait3A_71 : memref<1003520x64xf32, #tpu.memory_space<hbm>>) dst(%arg7 : memref<128x64xf32, #tpu.memory_space<vmem>>)
      %add3A_72 = arith.constant 2 : i32
      %add3A_73 = arith.addi %add3A_47, %add3A_72 : i32
      %lt3A_74 = arith.constant 100 : i32
      %lt3A_75 = arith.cmpi slt, %add3A_73, %lt3A_74 : i32
      %convert_element_type3A = arith.extui %lt3A_75 : i1 to i32
      %cond3A = arith.constant 0 : i32
      %cond3A_76 = arith.cmpi ne, %convert_element_type3A, %cond3A : i32
      scf.if %cond3A_76 {
        %add3A_82 = arith.constant 2 : i32
        %add3A_83 = arith.addi %add3A_47, %add3A_82 : i32
        %dma_start3A_84 = arith.constant 0 : i32
        %dma_start3A_85 = tpu.memref_slice %arg5[%add3A_83, %dma_start3A_84] : memref<100x128xi32, #tpu.memory_space<vmem>> -> memref<1x128xi32, #tpu.memory_space<vmem>>
        %dma_start3A_86 = tpu.memref_squeeze %dma_start3A_85 : memref<1x128xi32, #tpu.memory_space<vmem>> -> memref<128xi32, #tpu.memory_space<vmem>>
        %dma_start3A_87 = arith.constant 0 : i32
        %dma_start3A_88 = arith.constant 0 : i32
        %dma_start3A_89 = tpu.memref_slice %arg3[%dma_start3A_87, %dma_start3A_88] : memref<1003520x64xf32, #tpu.memory_space<hbm>> -> memref<1003520x64xf32, #tpu.memory_space<hbm>>
        tpu.enqueue_indirect_dma source(%dma_start3A_89 : memref<1003520x64xf32, #tpu.memory_space<hbm>>) target(%arg6 : memref<128x64xf32, #tpu.memory_space<vmem>>) offsets(%dma_start3A_86 : memref<128xi32, #tpu.memory_space<vmem>>) semaphore(%arg8 : memref<!tpu.dma_semaphore, #tpu.memory_space<semaphore_mem>>)
      } else {
      }
      %add3A_77 = arith.constant 1 : i32
      %add3A_78 = arith.addi %add3A_47, %add3A_77 : i32
      %mul3A_79 = arith.constant 128 : i32
      %mul3A_80 = arith.muli %add3A_78, %mul3A_79 : i32
      %add3A_81 = arith.addi %mul3A_32, %mul3A_80 : i32
      "tpu.region"() ({
        %run_scoped3A = tpu.sem_alloc : memref<!tpu.dma_semaphore, #tpu.memory_space<semaphore_mem>>
        %dma_start3A_82 = arith.constant 0 : i32
        %dma_start3A_83 = tpu.memref_slice %arg4[%select_n3A, %add3A_81, %dma_start3A_82] : memref<4x102400x64xf32, #tpu.memory_space<hbm>> -> memref<1x128x64xf32, #tpu.memory_space<hbm>>
        %dma_start3A_84 = tpu.memref_squeeze %dma_start3A_83 : memref<1x128x64xf32, #tpu.memory_space<hbm>> -> memref<128x64xf32, #tpu.memory_space<hbm>>
        %dma_start3A_85 = arith.constant 0 : i32
        %dma_start3A_86 = tpu.memref_slice %arg4[%select_n3A, %add3A_81, %dma_start3A_85] : memref<4x102400x64xf32, #tpu.memory_space<hbm>> -> memref<1x128x64xf32, #tpu.memory_space<hbm>>
        %dma_start3A_87 = tpu.memref_squeeze %dma_start3A_86 : memref<1x128x64xf32, #tpu.memory_space<hbm>> -> memref<128x64xf32, #tpu.memory_space<hbm>>
        tpu.enqueue_dma source(%arg7 : memref<128x64xf32, #tpu.memory_space<vmem>>) target(%dma_start3A_87 : memref<128x64xf32, #tpu.memory_space<hbm>>) target_semaphore(%run_scoped3A : memref<!tpu.dma_semaphore, #tpu.memory_space<semaphore_mem>>)
        %dma_wait3A_88 = arith.constant 0 : i32
        %dma_wait3A_89 = tpu.memref_slice %arg4[%select_n3A, %add3A_81, %dma_wait3A_88] : memref<4x102400x64xf32, #tpu.memory_space<hbm>> -> memref<1x128x64xf32, #tpu.memory_space<hbm>>
        %dma_wait3A_90 = tpu.memref_squeeze %dma_wait3A_89 : memref<1x128x64xf32, #tpu.memory_space<hbm>> -> memref<128x64xf32, #tpu.memory_space<hbm>>
        %dma_wait3A_91 = arith.constant 0 : i32
        %dma_wait3A_92 = tpu.memref_slice %arg4[%select_n3A, %add3A_81, %dma_wait3A_91] : memref<4x102400x64xf32, #tpu.memory_space<hbm>> -> memref<1x128x64xf32, #tpu.memory_space<hbm>>
        %dma_wait3A_93 = tpu.memref_squeeze %dma_wait3A_92 : memref<1x128x64xf32, #tpu.memory_space<hbm>> -> memref<128x64xf32, #tpu.memory_space<hbm>>
        tpu.wait_dma2 semaphore(%run_scoped3A : memref<!tpu.dma_semaphore, #tpu.memory_space<semaphore_mem>>) src(%arg7 : memref<128x64xf32, #tpu.memory_space<vmem>>) dst(%dma_wait3A_93 : memref<128x64xf32, #tpu.memory_space<hbm>>)
        tpu.yield
      }) : () -> ()
    }
    %scan3A_42 = arith.constant 50 : i32
    return
  }
}

#map = affine_map<(d0, d1) -> (0, 0, 0)>
#map1 = affine_map<(d0, d1) -> (0, 0)>
module attributes {stable_mosaic.version = 14 : i64} {
  func.func @_sc_gather(%arg0: i32, %arg1: i32, %arg2: memref<32x100x128xi32, #tpu.memory_space<hbm>>, %arg3: memref<1003520x64xf32, #tpu.memory_space<hbm>>, %arg4: memref<4x102400x64xf32, #tpu.memory_space<hbm>>, %arg5: memref<100x128xi32, #tpu.memory_space<vmem>>, %arg6: memref<128x64xf32, #tpu.memory_space<vmem>>, %arg7: memref<128x64xf32, #tpu.memory_space<vmem>>, %arg8: memref<!tpu.dma_semaphore, #tpu.memory_space<semaphore_mem>>, %arg9: memref<!tpu.dma_semaphore, #tpu.memory_space<semaphore_mem>>) attributes {dimension_semantics = [#tpu.dimension_semantics<core_parallel>, #tpu.dimension_semantics<subcore_parallel>], iteration_bounds = array<i64: 2, 16>, scalar_prefetch = 0 : i64, scratch_operands = 5 : i64, tpu.core_type = #tpu.core_type<sc_vector_subcore>, window_params = [{transform_indices = #map}, {transform_indices = #map1}, {transform_indices = #map}]} {
    %mul3A = arith.constant 2 : i32
    %mul3A_0 = arith.muli %arg1, %mul3A : i32
    %add3A = arith.addi %mul3A_0, %arg0 : i32
    %jit3A = arith.constant 8 : i32
    %div3A = arith.divsi %add3A, %jit3A : i32
    %sign3A = arith.constant 0 : i32
    %sign3A_1 = arith.cmpi sgt, %add3A, %sign3A : i32
    %sign3A_2 = arith.extui %sign3A_1 : i1 to i32
    %sign3A_3 = arith.constant 0 : i32
    %sign3A_4 = arith.cmpi slt, %add3A, %sign3A_3 : i32
    %sign3A_5 = arith.extui %sign3A_4 : i1 to i32
    %sign3A_6 = arith.subi %sign3A_2, %sign3A_5 : i32
    %sign3A_7 = arith.constant 0 : i32
    %sign3A_8 = arith.cmpi sgt, %jit3A, %sign3A_7 : i32
    %sign3A_9 = arith.extui %sign3A_8 : i1 to i32
    %sign3A_10 = arith.constant 0 : i32
    %sign3A_11 = arith.cmpi slt, %jit3A, %sign3A_10 : i32
    %sign3A_12 = arith.extui %sign3A_11 : i1 to i32
    %sign3A_13 = arith.subi %sign3A_9, %sign3A_12 : i32
    %ne3A = arith.cmpi ne, %sign3A_6, %sign3A_13 : i32
    %rem3A = arith.remsi %add3A, %jit3A : i32
    %ne3A_14 = arith.constant 0 : i32
    %ne3A_15 = arith.cmpi ne, %rem3A, %ne3A_14 : i32
    %and3A = arith.andi %ne3A, %ne3A_15 : i1
    %sub3A = arith.constant 1 : i32
    %sub3A_16 = arith.subi %div3A, %sub3A : i32
    %select_n3A = arith.select %and3A, %sub3A_16, %div3A : i32
    %jit3A_17 = arith.constant 8 : i32
    %eq3A = arith.constant 0 : i32
    %eq3A_18 = arith.cmpi eq, %jit3A_17, %eq3A : i32
    %jit3A_19 = arith.constant 1 : i32
    %select_n3A_20 = arith.select %eq3A_18, %jit3A_19, %jit3A_17 : i32
    %rem3A_21 = arith.remsi %add3A, %select_n3A_20 : i32
    %ne3A_22 = arith.constant 0 : i32
    %ne3A_23 = arith.cmpi ne, %rem3A_21, %ne3A_22 : i32
    %lt3A = arith.constant 0 : i32
    %lt3A_24 = arith.cmpi slt, %rem3A_21, %lt3A : i32
    %lt3A_25 = arith.constant 0 : i32
    %lt3A_26 = arith.cmpi slt, %select_n3A_20, %lt3A_25 : i32
    %ne3A_27 = arith.xori %lt3A_24, %lt3A_26 : i1
    %and3A_28 = arith.andi %ne3A_27, %ne3A_23 : i1
    %add3A_29 = arith.addi %rem3A_21, %select_n3A_20 : i32
    %select_n3A_30 = arith.select %and3A_28, %add3A_29, %rem3A_21 : i32
    %mul3A_31 = arith.constant 12800 : i32
    %mul3A_32 = arith.muli %select_n3A_30, %mul3A_31 : i32
    "tpu.region"() ({
      %run_scoped3A = tpu.sem_alloc : memref<!tpu.dma_semaphore, #tpu.memory_space<semaphore_mem>>
      %dma_start3A_43 = arith.constant 0 : i32
      %dma_start3A_44 = arith.constant 0 : i32
      %dma_start3A_45 = tpu.memref_slice %arg2[%add3A, %dma_start3A_43, %dma_start3A_44] : memref<32x100x128xi32, #tpu.memory_space<hbm>> -> memref<1x100x128xi32, #tpu.memory_space<hbm>>
      %dma_start3A_46 = tpu.memref_squeeze %dma_start3A_45 : memref<1x100x128xi32, #tpu.memory_space<hbm>> -> memref<100x128xi32, #tpu.memory_space<hbm>>
      %dma_start3A_47 = arith.constant 0 : i32
      %dma_start3A_48 = arith.constant 0 : i32
      %dma_start3A_49 = tpu.memref_slice %arg2[%add3A, %dma_start3A_47, %dma_start3A_48] : memref<32x100x128xi32, #tpu.memory_space<hbm>> -> memref<1x100x128xi32, #tpu.memory_space<hbm>>
      %dma_start3A_50 = tpu.memref_squeeze %dma_start3A_49 : memref<1x100x128xi32, #tpu.memory_space<hbm>> -> memref<100x128xi32, #tpu.memory_space<hbm>>
      tpu.enqueue_dma source(%dma_start3A_50 : memref<100x128xi32, #tpu.memory_space<hbm>>) target(%arg5 : memref<100x128xi32, #tpu.memory_space<vmem>>) target_semaphore(%run_scoped3A : memref<!tpu.dma_semaphore, #tpu.memory_space<semaphore_mem>>)
      %dma_wait3A = arith.constant 0 : i32
      %dma_wait3A_51 = arith.constant 0 : i32
      %dma_wait3A_52 = tpu.memref_slice %arg2[%add3A, %dma_wait3A, %dma_wait3A_51] : memref<32x100x128xi32, #tpu.memory_space<hbm>> -> memref<1x100x128xi32, #tpu.memory_space<hbm>>
      %dma_wait3A_53 = tpu.memref_squeeze %dma_wait3A_52 : memref<1x100x128xi32, #tpu.memory_space<hbm>> -> memref<100x128xi32, #tpu.memory_space<hbm>>
      %dma_wait3A_54 = arith.constant 0 : i32
      %dma_wait3A_55 = arith.constant 0 : i32
      %dma_wait3A_56 = tpu.memref_slice %arg2[%add3A, %dma_wait3A_54, %dma_wait3A_55] : memref<32x100x128xi32, #tpu.memory_space<hbm>> -> memref<1x100x128xi32, #tpu.memory_space<hbm>>
      %dma_wait3A_57 = tpu.memref_squeeze %dma_wait3A_56 : memref<1x100x128xi32, #tpu.memory_space<hbm>> -> memref<100x128xi32, #tpu.memory_space<hbm>>
      tpu.wait_dma2 semaphore(%run_scoped3A : memref<!tpu.dma_semaphore, #tpu.memory_space<semaphore_mem>>) src(%dma_wait3A_57 : memref<100x128xi32, #tpu.memory_space<hbm>>) dst(%arg5 : memref<100x128xi32, #tpu.memory_space<vmem>>)
      tpu.yield
    }) : () -> ()
    %dma_start3A = arith.constant 0 : i32
    %dma_start3A_33 = arith.constant 0 : i32
    %dma_start3A_34 = tpu.memref_slice %arg5[%dma_start3A, %dma_start3A_33] : memref<100x128xi32, #tpu.memory_space<vmem>> -> memref<1x128xi32, #tpu.memory_space<vmem>>
    %dma_start3A_35 = tpu.memref_squeeze %dma_start3A_34 : memref<1x128xi32, #tpu.memory_space<vmem>> -> memref<128xi32, #tpu.memory_space<vmem>>
    %dma_start3A_36 = arith.constant 0 : i32
    %dma_start3A_37 = arith.constant 0 : i32
    %dma_start3A_38 = tpu.memref_slice %arg3[%dma_start3A_36, %dma_start3A_37] : memref<1003520x64xf32, #tpu.memory_space<hbm>> -> memref<1003520x64xf32, #tpu.memory_space<hbm>>
    tpu.enqueue_indirect_dma source(%dma_start3A_38 : memref<1003520x64xf32, #tpu.memory_space<hbm>>) target(%arg6 : memref<128x64xf32, #tpu.memory_space<vmem>>) offsets(%dma_start3A_35 : memref<128xi32, #tpu.memory_space<vmem>>) semaphore(%arg8 : memref<!tpu.dma_semaphore, #tpu.memory_space<semaphore_mem>>)
    %scan3A = arith.constant 0 : i32
    %scan3A_39 = arith.constant 50 : i32
    %scan3A_40 = arith.addi %scan3A, %scan3A_39 : i32
    %scan3A_41 = arith.constant 1 : i32
    scf.for %scan3A_43 = %scan3A to %scan3A_40 step %scan3A_41  : i32 {
      %mul3A_44 = arith.constant 2 : i32
      %mul3A_45 = arith.muli %scan3A_43, %mul3A_44 : i32
      %add3A_46 = arith.constant 0 : i32
      %add3A_47 = arith.addi %add3A_46, %mul3A_45 : i32
      %dma_wait3A = arith.constant 0 : i32
      %dma_wait3A_48 = tpu.memref_slice %arg5[%add3A_47, %dma_wait3A] : memref<100x128xi32, #tpu.memory_space<vmem>> -> memref<1x128xi32, #tpu.memory_space<vmem>>
      %dma_wait3A_49 = tpu.memref_squeeze %dma_wait3A_48 : memref<1x128xi32, #tpu.memory_space<vmem>> -> memref<128xi32, #tpu.memory_space<vmem>>
      %dma_wait3A_50 = arith.constant 0 : i32
      %dma_wait3A_51 = arith.constant 0 : i32
      %dma_wait3A_52 = tpu.memref_slice %arg3[%dma_wait3A_50, %dma_wait3A_51] : memref<1003520x64xf32, #tpu.memory_space<hbm>> -> memref<1003520x64xf32, #tpu.memory_space<hbm>>
      tpu.wait_indirect_dma semaphore(%arg8 : memref<!tpu.dma_semaphore, #tpu.memory_space<semaphore_mem>>) src(%dma_wait3A_52 : memref<1003520x64xf32, #tpu.memory_space<hbm>>) dst(%arg6 : memref<128x64xf32, #tpu.memory_space<vmem>>)
      %add3A_53 = arith.constant 1 : i32
      %add3A_54 = arith.addi %add3A_47, %add3A_53 : i32
      %dma_start3A_55 = arith.constant 0 : i32
      %dma_start3A_56 = tpu.memref_slice %arg5[%add3A_54, %dma_start3A_55] : memref<100x128xi32, #tpu.memory_space<vmem>> -> memref<1x128xi32, #tpu.memory_space<vmem>>
      %dma_start3A_57 = tpu.memref_squeeze %dma_start3A_56 : memref<1x128xi32, #tpu.memory_space<vmem>> -> memref<128xi32, #tpu.memory_space<vmem>>
      %dma_start3A_58 = arith.constant 0 : i32
      %dma_start3A_59 = arith.constant 0 : i32
      %dma_start3A_60 = tpu.memref_slice %arg3[%dma_start3A_58, %dma_start3A_59] : memref<1003520x64xf32, #tpu.memory_space<hbm>> -> memref<1003520x64xf32, #tpu.memory_space<hbm>>
      tpu.enqueue_indirect_dma source(%dma_start3A_60 : memref<1003520x64xf32, #tpu.memory_space<hbm>>) target(%arg7 : memref<128x64xf32, #tpu.memory_space<vmem>>) offsets(%dma_start3A_57 : memref<128xi32, #tpu.memory_space<vmem>>) semaphore(%arg9 : memref<!tpu.dma_semaphore, #tpu.memory_space<semaphore_mem>>)
      %mul3A_61 = arith.constant 128 : i32
      %mul3A_62 = arith.muli %add3A_47, %mul3A_61 : i32
      %add3A_63 = arith.addi %mul3A_32, %mul3A_62 : i32
      "tpu.region"() ({
        %run_scoped3A = tpu.sem_alloc : memref<!tpu.dma_semaphore, #tpu.memory_space<semaphore_mem>>
        %dma_start3A_82 = arith.constant 0 : i32
        %dma_start3A_83 = tpu.memref_slice %arg4[%select_n3A, %add3A_63, %dma_start3A_82] : memref<4x102400x64xf32, #tpu.memory_space<hbm>> -> memref<1x128x64xf32, #tpu.memory_space<hbm>>
        %dma_start3A_84 = tpu.memref_squeeze %dma_start3A_83 : memref<1x128x64xf32, #tpu.memory_space<hbm>> -> memref<128x64xf32, #tpu.memory_space<hbm>>
        %dma_start3A_85 = arith.constant 0 : i32
        %dma_start3A_86 = tpu.memref_slice %arg4[%select_n3A, %add3A_63, %dma_start3A_85] : memref<4x102400x64xf32, #tpu.memory_space<hbm>> -> memref<1x128x64xf32, #tpu.memory_space<hbm>>
        %dma_start3A_87 = tpu.memref_squeeze %dma_start3A_86 : memref<1x128x64xf32, #tpu.memory_space<hbm>> -> memref<128x64xf32, #tpu.memory_space<hbm>>
        tpu.enqueue_dma source(%arg6 : memref<128x64xf32, #tpu.memory_space<vmem>>) target(%dma_start3A_87 : memref<128x64xf32, #tpu.memory_space<hbm>>) target_semaphore(%run_scoped3A : memref<!tpu.dma_semaphore, #tpu.memory_space<semaphore_mem>>)
        %dma_wait3A_88 = arith.constant 0 : i32
        %dma_wait3A_89 = tpu.memref_slice %arg4[%select_n3A, %add3A_63, %dma_wait3A_88] : memref<4x102400x64xf32, #tpu.memory_space<hbm>> -> memref<1x128x64xf32, #tpu.memory_space<hbm>>
        %dma_wait3A_90 = tpu.memref_squeeze %dma_wait3A_89 : memref<1x128x64xf32, #tpu.memory_space<hbm>> -> memref<128x64xf32, #tpu.memory_space<hbm>>
        %dma_wait3A_91 = arith.constant 0 : i32
        %dma_wait3A_92 = tpu.memref_slice %arg4[%select_n3A, %add3A_63, %dma_wait3A_91] : memref<4x102400x64xf32, #tpu.memory_space<hbm>> -> memref<1x128x64xf32, #tpu.memory_space<hbm>>
        %dma_wait3A_93 = tpu.memref_squeeze %dma_wait3A_92 : memref<1x128x64xf32, #tpu.memory_space<hbm>> -> memref<128x64xf32, #tpu.memory_space<hbm>>
        tpu.wait_dma2 semaphore(%run_scoped3A : memref<!tpu.dma_semaphore, #tpu.memory_space<semaphore_mem>>) src(%arg6 : memref<128x64xf32, #tpu.memory_space<vmem>>) dst(%dma_wait3A_93 : memref<128x64xf32, #tpu.memory_space<hbm>>)
        tpu.yield
      }) : () -> ()
      %add3A_64 = arith.constant 1 : i32
      %add3A_65 = arith.addi %add3A_47, %add3A_64 : i32
      %dma_wait3A_66 = arith.constant 0 : i32
      %dma_wait3A_67 = tpu.memref_slice %arg5[%add3A_65, %dma_wait3A_66] : memref<100x128xi32, #tpu.memory_space<vmem>> -> memref<1x128xi32, #tpu.memory_space<vmem>>
      %dma_wait3A_68 = tpu.memref_squeeze %dma_wait3A_67 : memref<1x128xi32, #tpu.memory_space<vmem>> -> memref<128xi32, #tpu.memory_space<vmem>>
      %dma_wait3A_69 = arith.constant 0 : i32
      %dma_wait3A_70 = arith.constant 0 : i32
      %dma_wait3A_71 = tpu.memref_slice %arg3[%dma_wait3A_69, %dma_wait3A_70] : memref<1003520x64xf32, #tpu.memory_space<hbm>> -> memref<1003520x64xf32, #tpu.memory_space<hbm>>
      tpu.wait_indirect_dma semaphore(%arg9 : memref<!tpu.dma_semaphore, #tpu.memory_space<semaphore_mem>>) src(%dma_wait3A_71 : memref<1003520x64xf32, #tpu.memory_space<hbm>>) dst(%arg7 : memref<128x64xf32, #tpu.memory_space<vmem>>)
      %add3A_72 = arith.constant 2 : i32
      %add3A_73 = arith.addi %add3A_47, %add3A_72 : i32
      %lt3A_74 = arith.constant 100 : i32
      %lt3A_75 = arith.cmpi slt, %add3A_73, %lt3A_74 : i32
      %convert_element_type3A = arith.extui %lt3A_75 : i1 to i32
      %cond3A = arith.constant 0 : i32
      %cond3A_76 = arith.cmpi ne, %convert_element_type3A, %cond3A : i32
      scf.if %cond3A_76 {
        %add3A_82 = arith.constant 2 : i32
        %add3A_83 = arith.addi %add3A_47, %add3A_82 : i32
        %dma_start3A_84 = arith.constant 0 : i32
        %dma_start3A_85 = tpu.memref_slice %arg5[%add3A_83, %dma_start3A_84] : memref<100x128xi32, #tpu.memory_space<vmem>> -> memref<1x128xi32, #tpu.memory_space<vmem>>
        %dma_start3A_86 = tpu.memref_squeeze %dma_start3A_85 : memref<1x128xi32, #tpu.memory_space<vmem>> -> memref<128xi32, #tpu.memory_space<vmem>>
        %dma_start3A_87 = arith.constant 0 : i32
        %dma_start3A_88 = arith.constant 0 : i32
        %dma_start3A_89 = tpu.memref_slice %arg3[%dma_start3A_87, %dma_start3A_88] : memref<1003520x64xf32, #tpu.memory_space<hbm>> -> memref<1003520x64xf32, #tpu.memory_space<hbm>>
        tpu.enqueue_indirect_dma source(%dma_start3A_89 : memref<1003520x64xf32, #tpu.memory_space<hbm>>) target(%arg6 : memref<128x64xf32, #tpu.memory_space<vmem>>) offsets(%dma_start3A_86 : memref<128xi32, #tpu.memory_space<vmem>>) semaphore(%arg8 : memref<!tpu.dma_semaphore, #tpu.memory_space<semaphore_mem>>)
      } else {
      }
      %add3A_77 = arith.constant 1 : i32
      %add3A_78 = arith.addi %add3A_47, %add3A_77 : i32
      %mul3A_79 = arith.constant 128 : i32
      %mul3A_80 = arith.muli %add3A_78, %mul3A_79 : i32
      %add3A_81 = arith.addi %mul3A_32, %mul3A_80 : i32
      "tpu.region"() ({
        %run_scoped3A = tpu.sem_alloc : memref<!tpu.dma_semaphore, #tpu.memory_space<semaphore_mem>>
        %dma_start3A_82 = arith.constant 0 : i32
        %dma_start3A_83 = tpu.memref_slice %arg4[%select_n3A, %add3A_81, %dma_start3A_82] : memref<4x102400x64xf32, #tpu.memory_space<hbm>> -> memref<1x128x64xf32, #tpu.memory_space<hbm>>
        %dma_start3A_84 = tpu.memref_squeeze %dma_start3A_83 : memref<1x128x64xf32, #tpu.memory_space<hbm>> -> memref<128x64xf32, #tpu.memory_space<hbm>>
        %dma_start3A_85 = arith.constant 0 : i32
        %dma_start3A_86 = tpu.memref_slice %arg4[%select_n3A, %add3A_81, %dma_start3A_85] : memref<4x102400x64xf32, #tpu.memory_space<hbm>> -> memref<1x128x64xf32, #tpu.memory_space<hbm>>
        %dma_start3A_87 = tpu.memref_squeeze %dma_start3A_86 : memref<1x128x64xf32, #tpu.memory_space<hbm>> -> memref<128x64xf32, #tpu.memory_space<hbm>>
        tpu.enqueue_dma source(%arg7 : memref<128x64xf32, #tpu.memory_space<vmem>>) target(%dma_start3A_87 : memref<128x64xf32, #tpu.memory_space<hbm>>) target_semaphore(%run_scoped3A : memref<!tpu.dma_semaphore, #tpu.memory_space<semaphore_mem>>)
        %dma_wait3A_88 = arith.constant 0 : i32
        %dma_wait3A_89 = tpu.memref_slice %arg4[%select_n3A, %add3A_81, %dma_wait3A_88] : memref<4x102400x64xf32, #tpu.memory_space<hbm>> -> memref<1x128x64xf32, #tpu.memory_space<hbm>>
        %dma_wait3A_90 = tpu.memref_squeeze %dma_wait3A_89 : memref<1x128x64xf32, #tpu.memory_space<hbm>> -> memref<128x64xf32, #tpu.memory_space<hbm>>
        %dma_wait3A_91 = arith.constant 0 : i32
        %dma_wait3A_92 = tpu.memref_slice %arg4[%select_n3A, %add3A_81, %dma_wait3A_91] : memref<4x102400x64xf32, #tpu.memory_space<hbm>> -> memref<1x128x64xf32, #tpu.memory_space<hbm>>
        %dma_wait3A_93 = tpu.memref_squeeze %dma_wait3A_92 : memref<1x128x64xf32, #tpu.memory_space<hbm>> -> memref<128x64xf32, #tpu.memory_space<hbm>>
        tpu.wait_dma2 semaphore(%run_scoped3A : memref<!tpu.dma_semaphore, #tpu.memory_space<semaphore_mem>>) src(%arg7 : memref<128x64xf32, #tpu.memory_space<vmem>>) dst(%dma_wait3A_93 : memref<128x64xf32, #tpu.memory_space<hbm>>)
        tpu.yield
      }) : () -> ()
    }
    %scan3A_42 = arith.constant 50 : i32
    return
  }
}

module attributes {stable_mosaic.version = 14 : i64} {
  func.func @_tr_body(%arg0: i32, %arg1: memref<64x2048xf32, #tpu.memory_space<vmem>>, %arg2: memref<64x2048xf32, #tpu.memory_space<vmem>>, %arg3: memref<2048x128xf32, #tpu.memory_space<vmem>>) attributes {dimension_semantics = [#tpu.dimension_semantics<arbitrary>], iteration_bounds = array<i64: 245>, scalar_prefetch = 0 : i64, scratch_operands = 0 : i64, tpu.core_type = #tpu.core_type<tc>, window_params = [{transform_indices = @transform_0, window_bounds = array<i64: 64, 2048>}, {transform_indices = @transform_1, window_bounds = array<i64: 64, 2048>}, {transform_indices = @transform_2, window_bounds = array<i64: 2048, 128>}]} {
    %get3A = arith.constant 0 : index
    %get3A_0 = arith.constant 0 : index
    %get3A_1 = vector.load %arg1[%get3A, %get3A_0] : memref<64x2048xf32, #tpu.memory_space<vmem>>, vector<64x2048xf32>
    %transpose3A = tpu.transpose %get3A_1, [1, 0] : vector<64x2048xf32> -> vector<2048x64xf32>
    %get3A_2 = arith.constant 0 : index
    %get3A_3 = arith.constant 0 : index
    %get3A_4 = vector.load %arg2[%get3A_2, %get3A_3] : memref<64x2048xf32, #tpu.memory_space<vmem>>, vector<64x2048xf32>
    %transpose3A_5 = tpu.transpose %get3A_4, [1, 0] : vector<64x2048xf32> -> vector<2048x64xf32>
    %concatenate3A = tpu.concatenate %transpose3A, %transpose3A_5 in 1 : vector<2048x64xf32>, vector<2048x64xf32> -> vector<2048x128xf32>
    %swap3A = arith.constant 0 : index
    %swap3A_6 = arith.constant 0 : index
    %swap3A_7 = vector.load %arg3[%swap3A, %swap3A_6] : memref<2048x128xf32, #tpu.memory_space<vmem>>, vector<2048x128xf32>
    tpu.vector_store %arg3[%swap3A, %swap3A_6], %concatenate3A {strides = array<i32>} : memref<2048x128xf32, #tpu.memory_space<vmem>>, vector<2048x128xf32>,
    return
  }
  func.func @transform_0(%arg0: i32) -> (i32, i32) {
    %c0_i32 = arith.constant 0 : i32
    %c0_i32_0 = arith.constant 0 : i32
    return %c0_i32, %arg0 : i32, i32
  }
  func.func @transform_1(%arg0: i32) -> (i32, i32) {
    %add3A = arith.constant 245 : i32
    %add3A_0 = arith.addi %add3A, %arg0 : i32
    %min3A = arith.constant 488 : i32
    %min3A_1 = arith.minsi %add3A_0, %min3A : i32
    %c0_i32 = arith.constant 0 : i32
    %c0_i32_2 = arith.constant 0 : i32
    return %c0_i32, %min3A_1 : i32, i32
  }
  func.func @transform_2(%arg0: i32) -> (i32, i32) {
    %c0_i32 = arith.constant 0 : i32
    %c0_i32_0 = arith.constant 0 : i32
    return %arg0, %c0_i32 : i32, i32
  }
}

module attributes {stable_mosaic.version = 14 : i64} {
  func.func @_tc_body(%arg0: i32, %arg1: memref<4x800x128xf32, #tpu.memory_space<vmem>>, %arg2: memref<4x800x128xf32, #tpu.memory_space<vmem>>, %arg3: memref<1x4xf32, #tpu.memory_space<vmem>>, %arg4: memref<1x128xf32, #tpu.memory_space<vmem>>, %arg5: memref<64x64xf32, #tpu.memory_space<vmem>>, %arg6: memref<1x128xf32, #tpu.memory_space<vmem>>, %arg7: memref<1x128xf32, #tpu.memory_space<vmem>>, %arg8: memref<1x128xf32, #tpu.memory_space<vmem>>, %arg9: memref<800x128xf32, #tpu.memory_space<vmem>>) attributes {dimension_semantics = [#tpu.dimension_semantics<arbitrary>], iteration_bounds = array<i64: 64>, scalar_prefetch = 0 : i64, scratch_operands = 0 : i64, tpu.core_type = #tpu.core_type<tc>, window_params = [{transform_indices = @transform_0, window_bounds = array<i64: 4, 800, 128>}, {pipeline_mode = #tpu.pipeline_mode<synchronous>, transform_indices = @transform_1, window_bounds = array<i64: 4, 800, 128>}, {pipeline_mode = #tpu.pipeline_mode<synchronous>, transform_indices = @transform_2, window_bounds = array<i64: 1, 4>}, {pipeline_mode = #tpu.pipeline_mode<synchronous>, transform_indices = @transform_3, window_bounds = array<i64: 1, 128>}, {pipeline_mode = #tpu.pipeline_mode<synchronous>, transform_indices = @transform_4, window_bounds = array<i64: 64, 64>}, {pipeline_mode = #tpu.pipeline_mode<synchronous>, transform_indices = @transform_5, window_bounds = array<i64: 1, 128>}, {pipeline_mode = #tpu.pipeline_mode<synchronous>, transform_indices = @transform_6, window_bounds = array<i64: 1, 128>}, {pipeline_mode = #tpu.pipeline_mode<synchronous>, transform_indices = @transform_7, window_bounds = array<i64: 1, 128>}, {transform_indices = @transform_8, window_bounds = array<i64: 800, 128>}]} {
    %iota3A = tpu.iota {dimensions = array<i32: 0>} : vector<128x128xi32>
    %iota3A_0 = tpu.iota {dimensions = array<i32: 1>} : vector<128x128xi32>
    %lt3A = arith.constant 64 : i32
    %lt3A_1 = vector.broadcast %lt3A : i32 to vector<128x128xi32>
    %lt3A_2 = arith.cmpi slt, %iota3A, %lt3A_1 : vector<128x128xi32>
    %lt3A_3 = arith.constant 64 : i32
    %lt3A_4 = vector.broadcast %lt3A_3 : i32 to vector<128x128xi32>
    %lt3A_5 = arith.cmpi slt, %iota3A_0, %lt3A_4 : vector<128x128xi32>
    %eq3A = arith.xori %lt3A_2, %lt3A_5 : vector<128x128xi1>
    %eq3A_6 = arith.constant dense<true> : vector<128x128xi1>
    %eq3A_7 = arith.xori %eq3A, %eq3A_6 : vector<128x128xi1>
    %jit3A = arith.constant 1.562500e-02 : f32
    %jit3A_8 = arith.constant 0.000000e+00 : f32
    %broadcast_in_dim3A = vector.broadcast %jit3A : f32 to vector<128x128xf32>
    %broadcast_in_dim3A_9 = vector.broadcast %jit3A_8 : f32 to vector<128x128xf32>
    %select_n3A = arith.select %eq3A_7, %broadcast_in_dim3A, %broadcast_in_dim3A_9 : vector<128x128xi1>, vector<128x128xf32>
    %get3A = arith.constant 0 : index
    %get3A_10 = arith.constant 0 : index
    %get3A_11 = vector.load %arg3[%get3A, %get3A_10] : memref<1x4xf32, #tpu.memory_space<vmem>>, vector<1x4xf32>
    %reduce_max3A = vector.shape_cast %get3A_11 : vector<1x4xf32> to vector<1x1x4xf32>
    %reduce_max3A_12 = arith.constant dense<0xFF800000> : vector<1xf32>
    %reduce_max3A_13 = vector.multi_reduction <maximumf>, %reduce_max3A, %reduce_max3A_12 [1, 2] : vector<1x1x4xf32> to vector<1xf32>
    %reduce_max3A_14 = vector.shape_cast %reduce_max3A_13 : vector<1xf32> to vector<1x1x1xf32>
    %reduce_max3A_15 = vector.extract %reduce_max3A_14[0, 0, 0] : f32 from vector<1x1x1xf32>
    %sub3A = vector.broadcast %reduce_max3A_15 : f32 to vector<1x4xf32>
    %sub3A_16 = arith.subf %get3A_11, %sub3A : vector<1x4xf32>
    %exp3A = math.exp %sub3A_16 : vector<1x4xf32>
    %reduce_sum3A = vector.shape_cast %exp3A : vector<1x4xf32> to vector<1x1x4xf32>
    %reduce_sum3A_17 = arith.constant dense<0.000000e+00> : vector<1xf32>
    %reduce_sum3A_18 = vector.multi_reduction <add>, %reduce_sum3A, %reduce_sum3A_17 [1, 2] : vector<1x1x4xf32> to vector<1xf32>
    %reduce_sum3A_19 = vector.shape_cast %reduce_sum3A_18 : vector<1xf32> to vector<1x1x1xf32>
    %reduce_sum3A_20 = vector.extract %reduce_sum3A_19[0, 0, 0] : f32 from vector<1x1x1xf32>
    %div3A = vector.broadcast %reduce_sum3A_20 : f32 to vector<1x4xf32>
    %div3A_21 = arith.divf %exp3A, %div3A : vector<1x4xf32>
    %get3A_22 = arith.constant 0 : index
    %get3A_23 = arith.constant 0 : index
    %get3A_24 = arith.constant 0 : index
    %get3A_25 = vector.load %arg1[%get3A_22, %get3A_23, %get3A_24] : memref<4x800x128xf32, #tpu.memory_space<vmem>>, vector<1x800x128xf32>
    %get3A_26 = vector.shape_cast %get3A_25 : vector<1x800x128xf32> to vector<800x128xf32>
    %get3A_27 = arith.constant 0 : index
    %get3A_28 = arith.constant 0 : index
    %get3A_29 = arith.constant 0 : index
    %get3A_30 = vector.load %arg2[%get3A_27, %get3A_28, %get3A_29] : memref<4x800x128xf32, #tpu.memory_space<vmem>>, vector<1x800x128xf32>
    %get3A_31 = vector.shape_cast %get3A_30 : vector<1x800x128xf32> to vector<800x128xf32>
    %add3A = arith.addf %get3A_26, %get3A_31 : vector<800x128xf32>
    %dot_general3A = arith.constant dense<0.000000e+00> : vector<800x128xf32>
    %dot_general3A_32 = tpu.matmul %add3A, %select_n3A, %dot_general3A {dimension_numbers = #tpu.dot_dimension_numbers<[1], [0], [0], [1], [0, 0, 1, 1], [], []>, transpose_lhs_hint = false} : vector<800x128xf32>, vector<128x128xf32>, vector<800x128xf32> -> vector<800x128xf32>
    %sub3A_33 = arith.subf %add3A, %dot_general3A_32 : vector<800x128xf32>
    %mul3A = arith.mulf %sub3A_33, %sub3A_33 : vector<800x128xf32>
    %dot_general3A_34 = arith.constant dense<0.000000e+00> : vector<800x128xf32>
    %dot_general3A_35 = tpu.matmul %mul3A, %select_n3A, %dot_general3A_34 {dimension_numbers = #tpu.dot_dimension_numbers<[1], [0], [0], [1], [0, 0, 1, 1], [], []>, transpose_lhs_hint = false} : vector<800x128xf32>, vector<128x128xf32>, vector<800x128xf32> -> vector<800x128xf32>
    %add3A_36 = arith.constant 9.99999974E-6 : f32
    %add3A_37 = vector.broadcast %add3A_36 : f32 to vector<800x128xf32>
    %add3A_38 = arith.addf %dot_general3A_35, %add3A_37 : vector<800x128xf32>
    %rsqrt3A = math.rsqrt %add3A_38 : vector<800x128xf32>
    %mul3A_39 = arith.mulf %sub3A_33, %rsqrt3A : vector<800x128xf32>
    %slice3A = vector.extract_strided_slice %div3A_21 {offsets = [0, 0], sizes = [1, 1], strides = [1, 1]} : vector<1x4xf32> to vector<1x1xf32>
    %squeeze3A = vector.extract %slice3A[0, 0] : f32 from vector<1x1xf32>
    %mul3A_40 = vector.broadcast %squeeze3A : f32 to vector<800x128xf32>
    %mul3A_41 = arith.mulf %mul3A_39, %mul3A_40 : vector<800x128xf32>
    %get3A_42 = arith.constant 1 : index
    %get3A_43 = arith.constant 0 : index
    %get3A_44 = arith.constant 0 : index
    %get3A_45 = vector.load %arg1[%get3A_42, %get3A_43, %get3A_44] : memref<4x800x128xf32, #tpu.memory_space<vmem>>, vector<1x800x128xf32>
    %get3A_46 = vector.shape_cast %get3A_45 : vector<1x800x128xf32> to vector<800x128xf32>
    %get3A_47 = arith.constant 1 : index
    %get3A_48 = arith.constant 0 : index
    %get3A_49 = arith.constant 0 : index
    %get3A_50 = vector.load %arg2[%get3A_47, %get3A_48, %get3A_49] : memref<4x800x128xf32, #tpu.memory_space<vmem>>, vector<1x800x128xf32>
    %get3A_51 = vector.shape_cast %get3A_50 : vector<1x800x128xf32> to vector<800x128xf32>
    %add3A_52 = arith.addf %get3A_46, %get3A_51 : vector<800x128xf32>
    %dot_general3A_53 = arith.constant dense<0.000000e+00> : vector<800x128xf32>
    %dot_general3A_54 = tpu.matmul %add3A_52, %select_n3A, %dot_general3A_53 {dimension_numbers = #tpu.dot_dimension_numbers<[1], [0], [0], [1], [0, 0, 1, 1], [], []>, transpose_lhs_hint = false} : vector<800x128xf32>, vector<128x128xf32>, vector<800x128xf32> -> vector<800x128xf32>
    %sub3A_55 = arith.subf %add3A_52, %dot_general3A_54 : vector<800x128xf32>
    %mul3A_56 = arith.mulf %sub3A_55, %sub3A_55 : vector<800x128xf32>
    %dot_general3A_57 = arith.constant dense<0.000000e+00> : vector<800x128xf32>
    %dot_general3A_58 = tpu.matmul %mul3A_56, %select_n3A, %dot_general3A_57 {dimension_numbers = #tpu.dot_dimension_numbers<[1], [0], [0], [1], [0, 0, 1, 1], [], []>, transpose_lhs_hint = false} : vector<800x128xf32>, vector<128x128xf32>, vector<800x128xf32> -> vector<800x128xf32>
    %add3A_59 = arith.constant 9.99999974E-6 : f32
    %add3A_60 = vector.broadcast %add3A_59 : f32 to vector<800x128xf32>
    %add3A_61 = arith.addf %dot_general3A_58, %add3A_60 : vector<800x128xf32>
    %rsqrt3A_62 = math.rsqrt %add3A_61 : vector<800x128xf32>
    %mul3A_63 = arith.mulf %sub3A_55, %rsqrt3A_62 : vector<800x128xf32>
    %slice3A_64 = vector.extract_strided_slice %div3A_21 {offsets = [0, 1], sizes = [1, 1], strides = [1, 1]} : vector<1x4xf32> to vector<1x1xf32>
    %squeeze3A_65 = vector.extract %slice3A_64[0, 0] : f32 from vector<1x1xf32>
    %mul3A_66 = vector.broadcast %squeeze3A_65 : f32 to vector<800x128xf32>
    %mul3A_67 = arith.mulf %mul3A_63, %mul3A_66 : vector<800x128xf32>
    %add3A_68 = arith.addf %mul3A_41, %mul3A_67 : vector<800x128xf32>
    %get3A_69 = arith.constant 2 : index
    %get3A_70 = arith.constant 0 : index
    %get3A_71 = arith.constant 0 : index
    %get3A_72 = vector.load %arg1[%get3A_69, %get3A_70, %get3A_71] : memref<4x800x128xf32, #tpu.memory_space<vmem>>, vector<1x800x128xf32>
    %get3A_73 = vector.shape_cast %get3A_72 : vector<1x800x128xf32> to vector<800x128xf32>
    %get3A_74 = arith.constant 2 : index
    %get3A_75 = arith.constant 0 : index
    %get3A_76 = arith.constant 0 : index
    %get3A_77 = vector.load %arg2[%get3A_74, %get3A_75, %get3A_76] : memref<4x800x128xf32, #tpu.memory_space<vmem>>, vector<1x800x128xf32>
    %get3A_78 = vector.shape_cast %get3A_77 : vector<1x800x128xf32> to vector<800x128xf32>
    %add3A_79 = arith.addf %get3A_73, %get3A_78 : vector<800x128xf32>
    %dot_general3A_80 = arith.constant dense<0.000000e+00> : vector<800x128xf32>
    %dot_general3A_81 = tpu.matmul %add3A_79, %select_n3A, %dot_general3A_80 {dimension_numbers = #tpu.dot_dimension_numbers<[1], [0], [0], [1], [0, 0, 1, 1], [], []>, transpose_lhs_hint = false} : vector<800x128xf32>, vector<128x128xf32>, vector<800x128xf32> -> vector<800x128xf32>
    %sub3A_82 = arith.subf %add3A_79, %dot_general3A_81 : vector<800x128xf32>
    %mul3A_83 = arith.mulf %sub3A_82, %sub3A_82 : vector<800x128xf32>
    %dot_general3A_84 = arith.constant dense<0.000000e+00> : vector<800x128xf32>
    %dot_general3A_85 = tpu.matmul %mul3A_83, %select_n3A, %dot_general3A_84 {dimension_numbers = #tpu.dot_dimension_numbers<[1], [0], [0], [1], [0, 0, 1, 1], [], []>, transpose_lhs_hint = false} : vector<800x128xf32>, vector<128x128xf32>, vector<800x128xf32> -> vector<800x128xf32>
    %add3A_86 = arith.constant 9.99999974E-6 : f32
    %add3A_87 = vector.broadcast %add3A_86 : f32 to vector<800x128xf32>
    %add3A_88 = arith.addf %dot_general3A_85, %add3A_87 : vector<800x128xf32>
    %rsqrt3A_89 = math.rsqrt %add3A_88 : vector<800x128xf32>
    %mul3A_90 = arith.mulf %sub3A_82, %rsqrt3A_89 : vector<800x128xf32>
    %slice3A_91 = vector.extract_strided_slice %div3A_21 {offsets = [0, 2], sizes = [1, 1], strides = [1, 1]} : vector<1x4xf32> to vector<1x1xf32>
    %squeeze3A_92 = vector.extract %slice3A_91[0, 0] : f32 from vector<1x1xf32>
    %mul3A_93 = vector.broadcast %squeeze3A_92 : f32 to vector<800x128xf32>
    %mul3A_94 = arith.mulf %mul3A_90, %mul3A_93 : vector<800x128xf32>
    %add3A_95 = arith.addf %add3A_68, %mul3A_94 : vector<800x128xf32>
    %get3A_96 = arith.constant 3 : index
    %get3A_97 = arith.constant 0 : index
    %get3A_98 = arith.constant 0 : index
    %get3A_99 = vector.load %arg1[%get3A_96, %get3A_97, %get3A_98] : memref<4x800x128xf32, #tpu.memory_space<vmem>>, vector<1x800x128xf32>
    %get3A_100 = vector.shape_cast %get3A_99 : vector<1x800x128xf32> to vector<800x128xf32>
    %get3A_101 = arith.constant 3 : index
    %get3A_102 = arith.constant 0 : index
    %get3A_103 = arith.constant 0 : index
    %get3A_104 = vector.load %arg2[%get3A_101, %get3A_102, %get3A_103] : memref<4x800x128xf32, #tpu.memory_space<vmem>>, vector<1x800x128xf32>
    %get3A_105 = vector.shape_cast %get3A_104 : vector<1x800x128xf32> to vector<800x128xf32>
    %add3A_106 = arith.addf %get3A_100, %get3A_105 : vector<800x128xf32>
    %dot_general3A_107 = arith.constant dense<0.000000e+00> : vector<800x128xf32>
    %dot_general3A_108 = tpu.matmul %add3A_106, %select_n3A, %dot_general3A_107 {dimension_numbers = #tpu.dot_dimension_numbers<[1], [0], [0], [1], [0, 0, 1, 1], [], []>, transpose_lhs_hint = false} : vector<800x128xf32>, vector<128x128xf32>, vector<800x128xf32> -> vector<800x128xf32>
    %sub3A_109 = arith.subf %add3A_106, %dot_general3A_108 : vector<800x128xf32>
    %mul3A_110 = arith.mulf %sub3A_109, %sub3A_109 : vector<800x128xf32>
    %dot_general3A_111 = arith.constant dense<0.000000e+00> : vector<800x128xf32>
    %dot_general3A_112 = tpu.matmul %mul3A_110, %select_n3A, %dot_general3A_111 {dimension_numbers = #tpu.dot_dimension_numbers<[1], [0], [0], [1], [0, 0, 1, 1], [], []>, transpose_lhs_hint = false} : vector<800x128xf32>, vector<128x128xf32>, vector<800x128xf32> -> vector<800x128xf32>
    %add3A_113 = arith.constant 9.99999974E-6 : f32
    %add3A_114 = vector.broadcast %add3A_113 : f32 to vector<800x128xf32>
    %add3A_115 = arith.addf %dot_general3A_112, %add3A_114 : vector<800x128xf32>
    %rsqrt3A_116 = math.rsqrt %add3A_115 : vector<800x128xf32>
    %mul3A_117 = arith.mulf %sub3A_109, %rsqrt3A_116 : vector<800x128xf32>
    %slice3A_118 = vector.extract_strided_slice %div3A_21 {offsets = [0, 3], sizes = [1, 1], strides = [1, 1]} : vector<1x4xf32> to vector<1x1xf32>
    %squeeze3A_119 = vector.extract %slice3A_118[0, 0] : f32 from vector<1x1xf32>
    %mul3A_120 = vector.broadcast %squeeze3A_119 : f32 to vector<800x128xf32>
    %mul3A_121 = arith.mulf %mul3A_117, %mul3A_120 : vector<800x128xf32>
    %add3A_122 = arith.addf %add3A_95, %mul3A_121 : vector<800x128xf32>
    %get3A_123 = arith.constant 0 : index
    %get3A_124 = arith.constant 0 : index
    %get3A_125 = vector.load %arg4[%get3A_123, %get3A_124] : memref<1x128xf32, #tpu.memory_space<vmem>>, vector<1x128xf32>
    %mul3A_126 = vector.broadcast %get3A_125 : vector<1x128xf32> to vector<800x128xf32>
    %mul3A_127 = arith.mulf %add3A_122, %mul3A_126 : vector<800x128xf32>
    %get3A_128 = arith.constant 0 : index
    %get3A_129 = arith.constant 0 : index
    %get3A_130 = vector.load %arg5[%get3A_128, %get3A_129] : memref<64x64xf32, #tpu.memory_space<vmem>>, vector<64x64xf32>
    %slice3A_131 = vector.extract_strided_slice %mul3A_127 {offsets = [0, 0], sizes = [800, 64], strides = [1, 1]} : vector<800x128xf32> to vector<800x64xf32>
    %dot_general3A_132 = arith.constant dense<0.000000e+00> : vector<800x64xf32>
    %dot_general3A_133 = tpu.matmul %slice3A_131, %get3A_130, %dot_general3A_132 {dimension_numbers = #tpu.dot_dimension_numbers<[1], [1], [0], [0], [0, 0, 1, 0], [], []>, transpose_lhs_hint = false} : vector<800x64xf32>, vector<64x64xf32>, vector<800x64xf32> -> vector<800x64xf32>
    %slice3A_134 = vector.extract_strided_slice %mul3A_127 {offsets = [0, 64], sizes = [800, 64], strides = [1, 1]} : vector<800x128xf32> to vector<800x64xf32>
    %dot_general3A_135 = arith.constant dense<0.000000e+00> : vector<800x64xf32>
    %dot_general3A_136 = tpu.matmul %slice3A_134, %get3A_130, %dot_general3A_135 {dimension_numbers = #tpu.dot_dimension_numbers<[1], [1], [0], [0], [0, 0, 1, 0], [], []>, transpose_lhs_hint = false} : vector<800x64xf32>, vector<64x64xf32>, vector<800x64xf32> -> vector<800x64xf32>
    %concatenate3A = tpu.concatenate %dot_general3A_133, %dot_general3A_136 in 1 : vector<800x64xf32>, vector<800x64xf32> -> vector<800x128xf32>
    %get3A_137 = arith.constant 0 : index
    %get3A_138 = arith.constant 0 : index
    %get3A_139 = vector.load %arg6[%get3A_137, %get3A_138] : memref<1x128xf32, #tpu.memory_space<vmem>>, vector<1x128xf32>
    %add3A_140 = vector.broadcast %get3A_139 : vector<1x128xf32> to vector<800x128xf32>
    %add3A_141 = arith.addf %concatenate3A, %add3A_140 : vector<800x128xf32>
    %dot_general3A_142 = arith.constant dense<0.000000e+00> : vector<800x128xf32>
    %dot_general3A_143 = tpu.matmul %add3A_141, %select_n3A, %dot_general3A_142 {dimension_numbers = #tpu.dot_dimension_numbers<[1], [0], [0], [1], [0, 0, 1, 1], [], []>, transpose_lhs_hint = false} : vector<800x128xf32>, vector<128x128xf32>, vector<800x128xf32> -> vector<800x128xf32>
    %sub3A_144 = arith.subf %add3A_141, %dot_general3A_143 : vector<800x128xf32>
    %mul3A_145 = arith.mulf %sub3A_144, %sub3A_144 : vector<800x128xf32>
    %dot_general3A_146 = arith.constant dense<0.000000e+00> : vector<800x128xf32>
    %dot_general3A_147 = tpu.matmul %mul3A_145, %select_n3A, %dot_general3A_146 {dimension_numbers = #tpu.dot_dimension_numbers<[1], [0], [0], [1], [0, 0, 1, 1], [], []>, transpose_lhs_hint = false} : vector<800x128xf32>, vector<128x128xf32>, vector<800x128xf32> -> vector<800x128xf32>
    %add3A_148 = arith.constant 9.99999974E-6 : f32
    %add3A_149 = vector.broadcast %add3A_148 : f32 to vector<800x128xf32>
    %add3A_150 = arith.addf %dot_general3A_147, %add3A_149 : vector<800x128xf32>
    %rsqrt3A_151 = math.rsqrt %add3A_150 : vector<800x128xf32>
    %mul3A_152 = arith.mulf %sub3A_144, %rsqrt3A_151 : vector<800x128xf32>
    %get3A_153 = arith.constant 0 : index
    %get3A_154 = arith.constant 0 : index
    %get3A_155 = vector.load %arg7[%get3A_153, %get3A_154] : memref<1x128xf32, #tpu.memory_space<vmem>>, vector<1x128xf32>
    %mul3A_156 = vector.broadcast %get3A_155 : vector<1x128xf32> to vector<800x128xf32>
    %mul3A_157 = arith.mulf %mul3A_152, %mul3A_156 : vector<800x128xf32>
    %get3A_158 = arith.constant 0 : index
    %get3A_159 = arith.constant 0 : index
    %get3A_160 = vector.load %arg8[%get3A_158, %get3A_159] : memref<1x128xf32, #tpu.memory_space<vmem>>, vector<1x128xf32>
    %add3A_161 = vector.broadcast %get3A_160 : vector<1x128xf32> to vector<800x128xf32>
    %add3A_162 = arith.addf %mul3A_157, %add3A_161 : vector<800x128xf32>
    %swap3A = arith.constant 0 : index
    %swap3A_163 = arith.constant 0 : index
    %swap3A_164 = vector.load %arg9[%swap3A, %swap3A_163] : memref<800x128xf32, #tpu.memory_space<vmem>>, vector<800x128xf32>
    tpu.vector_store %arg9[%swap3A, %swap3A_163], %add3A_162 {strides = array<i32>} : memref<800x128xf32, #tpu.memory_space<vmem>>, vector<800x128xf32>,
    return
  }
  func.func @transform_0(%arg0: i32) -> (i32, i32, i32) {
    %c0_i32 = arith.constant 0 : i32
    %c0_i32_0 = arith.constant 0 : i32
    %c0_i32_1 = arith.constant 0 : i32
    return %c0_i32, %arg0, %c0_i32_0 : i32, i32, i32
  }
  func.func @transform_1(%arg0: i32) -> (i32, i32, i32) {
    %c0_i32 = arith.constant 0 : i32
    %c0_i32_0 = arith.constant 0 : i32
    %c0_i32_1 = arith.constant 0 : i32
    %c0_i32_2 = arith.constant 0 : i32
    return %c0_i32, %c0_i32_0, %c0_i32_1 : i32, i32, i32
  }
  func.func @transform_2(%arg0: i32) -> (i32, i32) {
    %c0_i32 = arith.constant 0 : i32
    %c0_i32_0 = arith.constant 0 : i32
    %c0_i32_1 = arith.constant 0 : i32
    return %c0_i32, %c0_i32_0 : i32, i32
  }
  func.func @transform_3(%arg0: i32) -> (i32, i32) {
    %c0_i32 = arith.constant 0 : i32
    %c0_i32_0 = arith.constant 0 : i32
    %c0_i32_1 = arith.constant 0 : i32
    return %c0_i32, %c0_i32_0 : i32, i32
  }
  func.func @transform_4(%arg0: i32) -> (i32, i32) {
    %c0_i32 = arith.constant 0 : i32
    %c0_i32_0 = arith.constant 0 : i32
    %c0_i32_1 = arith.constant 0 : i32
    return %c0_i32, %c0_i32_0 : i32, i32
  }
  func.func @transform_5(%arg0: i32) -> (i32, i32) {
    %c0_i32 = arith.constant 0 : i32
    %c0_i32_0 = arith.constant 0 : i32
    %c0_i32_1 = arith.constant 0 : i32
    return %c0_i32, %c0_i32_0 : i32, i32
  }
  func.func @transform_6(%arg0: i32) -> (i32, i32) {
    %c0_i32 = arith.constant 0 : i32
    %c0_i32_0 = arith.constant 0 : i32
    %c0_i32_1 = arith.constant 0 : i32
    return %c0_i32, %c0_i32_0 : i32, i32
  }
  func.func @transform_7(%arg0: i32) -> (i32, i32) {
    %c0_i32 = arith.constant 0 : i32
    %c0_i32_0 = arith.constant 0 : i32
    %c0_i32_1 = arith.constant 0 : i32
    return %c0_i32, %c0_i32_0 : i32, i32
  }
  func.func @transform_8(%arg0: i32) -> (i32, i32) {
    %c0_i32 = arith.constant 0 : i32
    %c0_i32_0 = arith.constant 0 : i32
    return %arg0, %c0_i32 : i32, i32
  }
}

</mosaic_0001>

<sc_bundles>
// kernel: kernel.10.cloned.1.call-start
scs
__scs_entry_jumppad:
0x0: {  	(pc) =	sbr.rel $0x88, $3  }
0x1: {  	(tag) =	ssettag $0x0;
	lr =	simm.s32 $0x1  }
0x2: {  	[smem:$0x3F95] =	sst lr;
	_ =	strace $0xD0000000  }
0x3: {  	_ = 	snop  }
0x4: {  	_ = 	snop  }
0x5: {  	_ = 	snop  }
0x6: {  	_ = 	snop  }
0x7: {  	_ = 	snop  }
__scs_overlays_trampoline_lowered:
0x8: {  	[smem:$0x3FA4] =	sst s0  }
0x9: {  	[smem:$0x3FA5] =	sst s1  }
0xa: {  	[smem:$0x3FA6] =	sst s2  }
0xb: {  	[smem:$0x3FA7] =	sst s3  }
0xc: {  	[smem:$0x3FA8] =	sst s4  }
0xd: {  	[smem:$0x3FA9] =	sst s5  }
0xe: {  	[smem:$0x3FAA] =	sst s6  }
0xf: {  	[smem:$0x3FAB] =	sst s7  }
0x10: {  	[smem:$0x3FAC] =	sst s8  }
0x11: {  	[smem:$0x3FAD] =	sst s9;
	s0 =	simm.s32 @!p0 $0x0  }
0x12: {  	s1 =	sld [smem:$0x3F93];
	s0 =	simm.s32 @p0 $0x1  }
0x13: {  	[smem:$0x3FAE] =	sst s0;
	s0 =	simm.s32 @!p1 $0x0  }
0x14: {  	s2 =	sld [smem:$0x3F92];
	s0 =	simm.s32 @p1 $0x1  }
0x15: {  	[smem:$0x3FAF] =	sst s0;
	s0 =	simm.s32 @!p2 $0x0  }
0x16: {  	s3 =	sld [smem:$0x3FDB];
	s0 =	simm.s32 @p2 $0x1  }
0x17: {  	s4 =	simm.s32 $0x1BF5;
	[smem:$0x3FB1] =	sst s0  }
0x18: {  	s0 =	sld [smem:$0x3F94];
	_ =	swait.ge [sflag:s4], $0x0  }
0x19: {  	s7 =	sld [smem:$0x3F95]  }
0x1a: {  	s8 =	sadd.s32 $0xFFFFE003, lr  }
0x1b: {  	s9 =	sadd.s32 $0xFFFFFEF7, lr;
	s5 =	simm.s32 $0xFFFFFFFF;
	p2 =	slt.u32 s8, $0xFFFFF086  }
0x1c: {  	p1 =	slt.u32 s9, $0xF7A;
	s5 =	simm.s32 @!p2 $0x0  }
0x1d: {  	s5 =	simm.s32 @p1 $0x1;
	p0 =	seq.s32 s7, s2  }
0x1e: {  	s7 =	smul.u32 @!p0 $0xF7A, s2;
	p2 =	seq.s32 @!p0 s5, $0x0  }
0x1f: {  	s9 =	smul.u32 $0xF7A, s1;
	s8 =	simm.s32 @!p0 $0x1BF5;
	p2 =	por !p2, p0  }
0x20: {  	[sflag:s8] =	ssyncset.s32 @!p0 $0xFFFFF086;
	s6 =	sadd.s32 @!p0 s3, s7;
	s7 =	simm.s32 @!p0 $0x108  }
0x21: {  	s3 =	sadd.s32 s3, s9;
	s6 =	sadd.s32 @!p0 $0x88, s6;
	s7 =	simm.s32 @p2 $0x1082  }
0x22: {  	[simem:s7], [sflag:s8] =	dma.local @!p0 [hbm:s6], $0xF7A  }
0x23: {  	s9 =	sor.u32 $0xD0000000, s2;
	s6 =	simm.s32 $0x108;
	_ =	swait.ge @!p0 [sflag:s8], $0x0  }
0x24: {  	s3 =	sadd.s32 $0x88, s3;
	s6 =	simm.s32 @!p1 $0x1082;
	[sflag:s4] =	ssyncset.s32 $0xFFFFF086  }
0x25: {  	[simem:s6], [sflag:s4] =	dma.local [hbm:s3], $0xF7A  }
0x26: {  	[smem:$0x3F95] =	sst s1;
	(tag) =	ssettag s2;
	_ =	strace s9  }
0x27: {  	s1 =	sld [smem:$0x3FA5]  }
0x28: {  	s2 =	sld [smem:$0x3FA6]  }
0x29: {  	s4 =	sld [smem:$0x3FA8]  }
0x2a: {  	p0 =	seq.s32 s5, $0x0;
	s5 =	sld [smem:$0x3FA9]  }
0x2b: {  	s6 =	sld [smem:$0x3FAA]  }
0x2c: {  	s7 =	sld [smem:$0x3FAB]  }
0x2d: {  	s3 =	simm.s32 $0x108;
	s8 =	sld [smem:$0x3FAC]  }
0x2e: {  	s3 =	simm.s32 @!p0 $0x1082;
	s9 =	sld [smem:$0x3FAD]  }
0x2f: {  	lr =	sadd.s32 s0, s3;
	s0 =	sld [smem:$0x3FA4]  }
0x30: {  	s3 =	sld [smem:$0x3FA7]  }
0x31: {  	[smem:$0x3FB0] =	sst s10  }
0x32: {  	s10 =	sld [smem:$0x3FAE];
	_ =	sdelay $0x3  }
0x33: {  	p0 =	seq.s32 s10, $0x1;
	s10 =	sld [smem:$0x3FB0];
	_ =	sdelay $0x3  }
0x34: {  	[smem:$0x3FB0] =	sst s10  }
0x35: {  	s10 =	sld [smem:$0x3FAF];
	_ =	sdelay $0x3  }
0x36: {  	p1 =	seq.s32 s10, $0x1;
	s10 =	sld [smem:$0x3FB0];
	_ =	sdelay $0x3  }
0x37: {  	[smem:$0x3FB0] =	sst s10  }
0x38: {  	s10 =	sld [smem:$0x3FB1]  }
0x39: {  	_ = 	snop;
	(pc) =	sbr.ind lr, $3  }
0x3a: {  	_ = 	snop  }
0x3b: {  	_ = 	snop  }
0x3c: {  	p2 =	seq.s32 s10, $0x1;
	s10 =	sld [smem:$0x3FB0]  }
0x3d: {  	_ =	shalt  }
0x3e: {  	_ =	shalt  }
0x3f: {  	_ =	shalt  }
0x40: {  	_ =	shalt  }
0x41: {  	_ =	shalt  }
0x42: {  	_ =	shalt  }
0x43: {  	_ =	shalt  }
0x44: {  	_ =	shalt  }
0x45: {  	_ =	shalt  }
0x46: {  	_ =	shalt  }
0x47: {  	_ =	shalt  }
0x48: {  	_ =	shalt  }
0x49: {  	_ =	shalt  }
0x4a: {  	_ =	shalt  }
0x4b: {  	_ =	shalt  }
0x4c: {  	_ =	shalt  }
0x4d: {  	_ =	shalt  }
0x4e: {  	_ =	shalt  }
0x4f: {  	_ =	shalt  }
0x50: {  	_ =	shalt  }
0x51: {  	_ =	shalt  }
0x52: {  	_ =	shalt  }
0x53: {  	_ =	shalt  }
0x54: {  	_ =	shalt  }
0x55: {  	_ =	shalt  }
0x56: {  	_ =	shalt  }
0x57: {  	_ =	shalt  }
0x58: {  	_ =	shalt  }
0x59: {  	_ =	shalt  }
0x5a: {  	_ =	shalt  }
0x5b: {  	_ =	shalt  }
0x5c: {  	_ =	shalt  }
0x5d: {  	_ =	shalt  }
0x5e: {  	_ =	shalt  }
0x5f: {  	_ =	shalt  }
0x60: {  	_ =	shalt  }
0x61: {  	_ =	shalt  }
0x62: {  	_ =	shalt  }
0x63: {  	_ =	shalt  }
0x64: {  	_ =	shalt  }
0x65: {  	_ =	shalt  }
0x66: {  	_ =	shalt  }
0x67: {  	_ =	shalt  }
0x68: {  	_ =	shalt  }
0x69: {  	_ =	shalt  }
0x6a: {  	_ =	shalt  }
0x6b: {  	_ =	shalt  }
0x6c: {  	_ =	shalt  }
0x6d: {  	_ =	shalt  }
0x6e: {  	_ =	shalt  }
0x6f: {  	_ =	shalt  }
0x70: {  	_ =	shalt  }
0x71: {  	_ =	shalt  }
0x72: {  	_ =	shalt  }
0x73: {  	_ =	shalt  }
0x74: {  	_ =	shalt  }
0x75: {  	_ =	shalt  }
0x76: {  	_ =	shalt  }
0x77: {  	_ =	shalt  }
0x78: {  	_ =	shalt  }
0x79: {  	_ =	shalt  }
0x7a: {  	_ =	shalt  }
0x7b: {  	_ =	shalt  }
0x7c: {  	_ =	shalt  }
0x7d: {  	_ =	shalt  }
0x7e: {  	_ =	shalt  }
0x7f: {  	_ =	shalt  }
0x80: {  	_ =	shalt  }
0x81: {  	_ =	shalt  }
0x82: {  	_ =	shalt  }
0x83: {  	_ =	shalt  }
0x84: {  	_ =	shalt  }
0x85: {  	_ =	shalt  }
0x86: {  	_ =	shalt  }
0x87: {  	_ =	shalt  }
.Lfunc_end0:
.L_simem_size_0:
called_computation.2_lowered:
.L_overlay_start_0:
0x88: {  	s2 =	sld [smem:$0x3FD9]  }
0x89: {  	s3 =	sld [smem:$0x3FFE];
	_ =	sdelay $0x1  }
0x8a: {  	s1 =	srdreg.scid  }
0x8b: {  	s0 =	sand.u32 $0x1, s1  }
0x8c: {  	s17 =	sshll.u32 s0, $0xA;
	s2 =	sadd.s32 s3, s2  }
0x8d: {  	s2 =	sadd.s32 s2, s17  }
0x8e: {  	[smem:$0x3FBC] =	sst s2  }
0x8f: {  	_ = 	snop  }
0x90: {  	(tm) =	ssettm $0x1  }
0x91: {  	s18 =	sld [smem:$0x3FFB];
	_ =	sdelay $0x3  }
0x92: {  	_ =	strace s18  }
0x93: {  	s2 =	sld [smem:$0x3FFC];
	_ =	sdelay $0x3  }
0x94: {  	_ =	strace s2  }
0x95: {  	s2 =	sld [smem:$0x3FFD];
	_ =	sdelay $0x3  }
0x96: {  	_ =	strace s2  }
0x97: {  	_ =	strace $0x8FFFFFFF  }
0x98: {  	s19 =	sld [smem:$0x3FDB];
	_ =	sdelay $0x1  }
0x99: {  	s20 =	simm.s32 $_scs_section_size  }
0x9a: {  	s4 =	simm.s32 $_size__tile_overlayer_lowered;
	s5 =	simm.s32 $_tile_overlayer_lowered  }
0x9b: {  	s6 =	simm.s32 $0x1BFF;
	s21 =	sshll.u32 s5, $0x1;
	s3 =	sadd.s32 s20, s19  }
0x9c: {  	s22 =	simm.s32 $0x0;
	s4 =	sshll.u32 s4, $0x1;
	s5 =	sadd.s32 s21, s3  }
0x9d: {  	[timem:s22], [sflag:s6] =	dma.local [hbm:s5], s4  }
0x9e: {  	_ =	swait.ge [sflag:s6], s4  }
0x9f: {  	s4 =	ssub.s32 $0x0, s4;
	[sflag:s6] =	ssyncset.done $0x0  }
0xa0: {  	[sflag:s6] =	ssyncadd.s32 s4;
	_ =	sdelay $0x1  }
0xa1: {  	s23 =	simm.s32 $0x1B8B  }
0xa2: {  	_ =	swait.ge [sflag:s23], $0x1  }
0xa3: {  	[sflag:s23] =	ssyncset.done $0x0  }
0xa4: {  	[sflag:s23] =	ssyncadd.s32 $0xFFFFFFFF  }
0xa5: {  	s4 =	sld [smem:$0x0]  }
0xa6: {  	s5 =	sand.u32 $0xFFFFFFFE, s1  }
0xa7: {  	p0 =	sne.s32 s1, s5  }
0xa8: {  	s5 =	sshll.u32 @p0 s5, $0xE  }
0xa9: {  	s5 =	sadd.s32 @p0 $0x11B8D, s5;
	s6 =	sshll.u32 @p0 s4, $0x11  }
0xaa: {  	s5 =	sor.u32 @p0 s6, s5  }
0xab: {  	[sflag:s5] =	ssyncadd.remote.s32 @p0 $0x1;
	_ =	sdelay $0x1  }
0xac: {  	s5 =	simm.s32 @p0 $0x1B8D  }
0xad: {  	_ =	swait.eq @p0 [sflag:s5], $0x1  }
0xae: {  	[sflag:s5] =	ssyncadd.s32 @p0 $0xFFFFFFFF  }
0xaf: {  	s6 =	sshll.u32 @!p0 s1, $0xE  }
0xb0: {  	s6 =	sor.u32 @!p0 $0x4000, s6;
	s5 =	simm.s32 @!p0 $0x1B8D  }
0xb1: {  	s4 =	sshll.u32 @!p0 s4, $0x11;
	s6 =	sadd.s32 @!p0 $0x11B8D, s6;
	_ =	swait.eq @!p0 [sflag:s5], $0x1  }
0xb2: {  	s4 =	sor.u32 @!p0 s4, s6;
	[sflag:s5] =	ssyncadd.s32 @!p0 $0xFFFFFFFF  }
0xb3: {  	s25 =	simm.s32 $0x1B8E;
	s24 =	sld [smem:$0x3FFE];
	[sflag:s4] =	ssyncadd.remote.s32 @!p0 $0x1  }
0xb4: {  	s26 =	simm.s32 $execute0_lowered;
	[smem:$0x3FD2] =	sst s25  }
0xb5: {  	s5 =	sshll.u32 s26, $0x1;
	_ =	strace $0x80000049;
	[dreg:$0x1] =	wrdreg $0xFFFFFFFF  }
0xb6: {  	s28 =	simm.s32 $_size_execute0_lowered;
	s3 =	sadd.s32 s3, s5;
	[dreg:$0x0] =	wrdreg $0x0  }
0xb7: {  	s5 =	sshll.u32 s28, $0x1;
	[dreg:$0x2] =	wrdreg s3  }
0xb8: {  	[dreg:$0x3] =	wrdreg s5  }
0xb9: {  	[dreg:$0x4] =	wrdreg $0xC0  }
0xba: {  	_ =	task [dreg:s22], $0x5FFFF  }
0xbb: {  	[dreg:$0x1] =	wrdreg $0xFFFFFFFF  }
0xbc: {  	[dreg:$0x0] =	wrdreg $0x60  }
0xbd: {  	[dreg:$0x2] =	wrdreg s24  }
0xbe: {  	[dreg:$0x3] =	wrdreg $0xA  }
0xbf: {  	_ =	task.clear_ibuf [dreg:s22], $0x4FFFF;
	_ =	strace $0x90000049  }
0xc0: {  	s29 =	simm.s32 $0xA;
	_ =	strace $0x8000004B  }
0xc1: {  	_ =	swait.ge [sflag:s29], $0x1  }
0xc2: {  	[sflag:s29] =	ssyncadd.s32 $0xFFFFFFFF  }
0xc3: {  	_ =	strace $0x9000004B  }
0xc4: {  	_ =	sfence  }
0xc5: {  	s30 =	sld [smem:$0x0];
	_ =	sdelay $0x2  }
0xc6: {  	s31 =	sshll.u32 s1, $0xD;
	s1 =	sshrl.u32 s1, $0x2  }
0xc7: {  	s4 =	sand.u32 $0x4000, s31;
	s1 =	sadd.s32 s1, s30  }
0xc8: {  	s0 =	sor.u32 s4, s0;
	s1 =	sshll.u32 s1, $0x11  }
0xc9: {  	s0 =	sor.u32 s1, s0  }
0xca: {  	s0 =	sadd.s32 $0x8F2B, s0  }
0xcb: {  	[sflag:s0] =	ssyncadd.remote.s32 $0x1  }
0xcc: {  	_ =	sfence.sel $0xFFFF  }
0xcd: {  	[dreg:$0x0] =	wrdreg $0xFFFFFFFF;
	(pc) =	sbr.abs _section_cstart, $3  }
0xce: {  	[dreg:$0x1] =	wrdreg $0xFFFFFFFF  }
0xcf: {  	_ =	task.clear_ibuf [dreg:s22], $0x2FFFF;
	_ =	strace $0x9FFFFFFF  }
0xd0: {  	(tm) =	ssettm $0x7FFFFFFF  }
0xd1: {  	_ =	shalt  }
tec
execute0_lowered:
.L_overlay_start_1:
0x0: {  	(tag) =	ssettag $0x1  }
0x1: {  	s1 =	srdreg.scid  }
0x2: {  	s0 =	stileid.u32;
	s4 =	rddreg [dreg:$0x0]  }
0x3: {  	s11 =	simm.s32 $0x3200;
	s12 =	simm.s32 $0x1;
	s13 =	simm.s32 $0x80  }
0x4: {  	s14 =	simm.s32 $0x5200;
	s15 =	simm.s32 $0x2;
	s16 =	simm.s32 $0x3180  }
0x5: {  	s5 =	sand.u32 $0x1, s1;
	s2 =	sshll.u32 s0, $0x1;
	s7 =	sshrl.u32 s0, $0x2  }
0x6: {  	s17 =	simm.s32 $0x0;
	s3 =	sor.u32 s5, s2;
	s7 =	smul.u32 $0x640000, s7  }
0x7: {  	s1 =	rddreg [dreg:$0x1];
	s6 =	smul.u32 $0x640, s3;
	s3 =	sand.u32 $0x7, s3  }
0x8: {  	s2 =	simm.s32 $0x0;
	s5 =	ssub.s32 $0x2, s5;
	s8 =	smul.u32 $0xC8000, s3  }
0x9: {  	s9 =	sadd.s32 $0xAE3C00, s4;
	[smem:$0x7FF] =	sst s2;
	s30 =	sshrl.u32 s5, $0x1  }
0xa: {  	_ =	strace $0x8000004A;
	s3 =	sadd.s32 $0x2C00, s4;
	s7 =	sadd.s32 s7, s8  }
0xb: {  	s5 =	ssub.s32 s5, s30;
	s6 =	sadd.s32 s6, s4;
	s31 =	sshrl.u32 s7, $0x3  }
0xc: {  	s4 =	sadd.s32 $0xAD7400, s6;
	s10 =	sor.u32 $0x2000, s7;
	s6 =	sadd.s32 s31, s9  }
0xd: {  	s5 =	smax.u32 s5, $0x1;
	s10 =	sshrl.u32 s10, $0x3;
	s7 =	sadd.s32 $0x18800, s6  }
0xe: {  	s8 =	sadd.s32 $0x18C00, s6;
	s9 =	sadd.s32 s10, s9;
	s10 =	simm.s32 $0x3  }
.LBB2_1:
0xf: {  	[tilespmem:s2], [sflag:$0x3] =	stream.linear.gather [hbm4b:s4+s2], $0x3200, $0x38;
	[tilespmem:$0x7200] =	vst v63  }
0x10: {  	_ =	swait.ge [sflag:s10], $0x3200  }
0x11: {  	[sflag:s10] =	ssyncset.done $0x0  }
0x12: {  	[sflag:s10] =	ssyncadd.s32 $0xFFFFCE00  }
0x13: {  	[tilespmem:s11], [sflag:$0x1] =	stream.indirect.gather [hbm4b:s3+s13], $0x40, s2, s13, $0xb8;
	[tilespmem:$0x7200] =	vst v63  }
0x14: {  	_ =	swait.ge [sflag:s12], $0x2000  }
0x15: {  	[sflag:s12] =	ssyncset.done $0x0  }
0x16: {  	[sflag:s12] =	ssyncadd.s32 $0xFFFFE000  }
0x17: {  	[tilespmem:s14], [sflag:$0x2] =	stream.indirect.gather [hbm4b:s3+s13], $0x40, s13, s13, $0xb8;
	[tilespmem:$0x7200] =	vst v63  }
0x18: {  	s18 =	sadd.s32 $0x0, s6  }
0x19: {  	[hbm4b:s18+s2] =	stream.linear.scatter [tilespmem:s11], [sflag:$0x3], $0x2000, $0x38;
	[tilespmem:$0x7200] =	vst v63  }
0x1a: {  	_ =	swait.ge [sflag:s10], $0x2000  }
0x1b: {  	[sflag:s10] =	ssyncset.done $0x0  }
0x1c: {  	[sflag:s10] =	ssyncadd.s32 $0xFFFFE000  }
0x1d: {  	_ =	swait.ge [sflag:s15], $0x2000  }
0x1e: {  	[sflag:s15] =	ssyncset.done $0x0  }
0x1f: {  	s30 =	simm.s32 $0x100;
	[sflag:s15] =	ssyncadd.s32 $0xFFFFE000  }
0x20: {  	[tilespmem:s11], [sflag:$0x1] =	stream.indirect.gather [hbm4b:s3+s13], $0x40, s30, s13, $0xb8;
	[tilespmem:$0x7200] =	vst v63  }
0x21: {  	s31 =	sadd.s32 $0x0, s9  }
0x22: {  	[hbm4b:s31+s2] =	stream.linear.scatter [tilespmem:s14], [sflag:$0x3], $0x2000, $0x38;
	[tilespmem:$0x7200] =	vst v63  }
0x23: {  	_ =	swait.ge [sflag:s10], $0x2000  }
0x24: {  	s19 =	simm.s32 $0x80;
	s18 =	simm.s32 $0x800;
	[sflag:s10] =	ssyncset.done $0x0  }
.LBB2_2:
0x25: {  	p0 =	sne.s32 s18, $0x18000;
	[sflag:s10] =	ssyncadd.s32 $0xFFFFE000;
	s19 =	sadd.s32 $0x100, s19  }
0x26: {  	s20 =	smov.u32 s18;
	s18 =	sadd.s32 $0x800, s18  }
0x27: {  	_ =	swait.ge [sflag:s12], $0x2000  }
0x28: {  	[sflag:s12] =	ssyncset.done $0x0  }
0x29: {  	[sflag:s12] =	ssyncadd.s32 $0xFFFFE000  }
0x2a: {  	[tilespmem:s14], [sflag:$0x2] =	stream.indirect.gather [hbm4b:s3+s13], $0x40, s19, s13, $0xb8;
	[tilespmem:$0x7200] =	vst v63  }
0x2b: {  	s21 =	sadd.s32 s20, s6  }
0x2c: {  	[hbm4b:s21+s2] =	stream.linear.scatter [tilespmem:s11], [sflag:$0x3], $0x2000, $0x38;
	[tilespmem:$0x7200] =	vst v63  }
0x2d: {  	_ =	swait.ge [sflag:s10], $0x2000  }
0x2e: {  	[sflag:s10] =	ssyncset.done $0x0  }
0x2f: {  	[sflag:s10] =	ssyncadd.s32 $0xFFFFE000  }
0x30: {  	_ =	swait.ge [sflag:s15], $0x2000  }
0x31: {  	[sflag:s15] =	ssyncset.done $0x0  }
0x32: {  	s21 =	sadd.s32 $0x80, s19;
	[sflag:s15] =	ssyncadd.s32 $0xFFFFE000  }
0x33: {  	[tilespmem:s11], [sflag:$0x1] =	stream.indirect.gather [hbm4b:s3+s13], $0x40, s21, s13, $0xb8;
	[tilespmem:$0x7200] =	vst v63  }
.Ltmp0:
0x34: {  	_ = 	snop;
	(pc) =	sbr.rel @p0 .LBB2_2-.Ltmp0, $4  }
0x35: {  	s20 =	sadd.s32 s20, s9  }
0x36: {  	[hbm4b:s20+s2] =	stream.linear.scatter [tilespmem:s14], [sflag:$0x3], $0x2000, $0x38;
	[tilespmem:$0x7200] =	vst v63  }
0x37: {  	_ =	swait.ge [sflag:s10], $0x2000  }
0x38: {  	[sflag:s10] =	ssyncset.done $0x0  }
0x39: {  	[sflag:s10] =	ssyncadd.s32 $0xFFFFE000  }
0x3a: {  	_ =	swait.ge [sflag:s12], $0x2000  }
0x3b: {  	[sflag:s12] =	ssyncset.done $0x0  }
0x3c: {  	[sflag:s12] =	ssyncadd.s32 $0xFFFFE000  }
0x3d: {  	[tilespmem:s14], [sflag:$0x2] =	stream.indirect.gather [hbm4b:s3+s13], $0x40, s16, s13, $0xb8;
	[tilespmem:$0x7200] =	vst v63  }
0x3e: {  	_ = 	snop  }
0x3f: {  	[hbm4b:s7+s2] =	stream.linear.scatter [tilespmem:s11], [sflag:$0x3], $0x2000, $0x38;
	[tilespmem:$0x7200] =	vst v63  }
0x40: {  	_ =	swait.ge [sflag:s10], $0x2000  }
0x41: {  	[sflag:s10] =	ssyncset.done $0x0  }
0x42: {  	[sflag:s10] =	ssyncadd.s32 $0xFFFFE000  }
0x43: {  	s17 =	sadd.s32 $0x1, s17;
	_ =	swait.ge [sflag:s15], $0x2000  }
0x44: {  	p0 =	sne.s32 s17, s5;
	[sflag:s15] =	ssyncset.done $0x0  }
.Ltmp1:
0x45: {  	[sflag:s15] =	ssyncadd.s32 $0xFFFFE000;
	(pc) =	sbr.rel @p0 .LBB2_1-.Ltmp1, $4  }
0x46: {  	[hbm4b:s8+s2] =	stream.linear.scatter [tilespmem:s14], [sflag:$0x3], $0x2000, $0x38;
	[tilespmem:$0x7200] =	vst v63  }
0x47: {  	_ =	swait.ge [sflag:s10], $0x2000  }
0x48: {  	[sflag:s10] =	ssyncset.done $0x0  }
0x49: {  	[sflag:s10] =	ssyncadd.s32 $0xFFFFE000  }
0x4a: {  	_ =	sfence.sel $0x180000  }
0x4b: {  	[bflag:$0x0] =	sbarrier.arrive $0xFFFF  }
0x4c: {  	p0 =	sne.s32 s0, $0x0;
	_ =	strace $0x9000004A  }
0x4d: {  	s0 =	sadd.s32 @!p0 $0x100000, s1;
	[bflag:$0x2] =	sbarrier.arrive $0xFFFF  }
0x4e: {  	[sflag:s0] =	ssyncadd.tile.s32 @!p0 $0x1;
	_ =	shalt  }
.Lfunc_end2:
_tile_overlayer_lowered:
.L_overlay_start_2:
0x4f: {  	(tag) =	ssettag $0x2  }
0x50: {  	s0 =	rddreg [dreg:$0x0];
	s2 =	stileid.u32  }
0x51: {  	s1 =	rddreg [dreg:$0x1];
	p0 =	sne.s32 s2, $0x0  }
0x52: {  	s3 =	rddreg [dreg:$0x2];
	[bflag:$0x3] =	sbarrier.arrive $0xFFFF;
	s2 =	simm.s32 @!p0 $0x1C03  }
0x53: {  	[timem:s3], [sflag:s2] =	dma.local @!p0 [hbm:s0], s1  }
0x54: {  	s0 =	simm.s32 @!p0 $0x3  }
0x55: {  	_ =	swait.ge @!p0 [sflag:s0], s1  }
0x56: {  	s1 =	ssub.s32 @!p0 $0x0, s1;
	[sflag:s0] =	ssyncset.done @!p0 $0x0  }
0x57: {  	[sflag:s0] =	ssyncadd.s32 @!p0 s1  }
0x58: {  	[bflag:$0x3] =	sbarrier.arrive $0xFFFF  }
0x59: {  	_ =	shalt  }

// kernel: kernel.7.cloned.1.call-start
scs
__scs_entry_jumppad:
0x0: {  	(pc) =	sbr.rel $0x88, $3  }
0x1: {  	(tag) =	ssettag $0x0;
	lr =	simm.s32 $0x1  }
0x2: {  	[smem:$0x3F95] =	sst lr;
	_ =	strace $0xD0000000  }
0x3: {  	_ = 	snop  }
0x4: {  	_ = 	snop  }
0x5: {  	_ = 	snop  }
0x6: {  	_ = 	snop  }
0x7: {  	_ = 	snop  }
__scs_overlays_trampoline_lowered:
0x8: {  	[smem:$0x3FA4] =	sst s0  }
0x9: {  	[smem:$0x3FA5] =	sst s1  }
0xa: {  	[smem:$0x3FA6] =	sst s2  }
0xb: {  	[smem:$0x3FA7] =	sst s3  }
0xc: {  	[smem:$0x3FA8] =	sst s4  }
0xd: {  	[smem:$0x3FA9] =	sst s5  }
0xe: {  	[smem:$0x3FAA] =	sst s6  }
0xf: {  	[smem:$0x3FAB] =	sst s7  }
0x10: {  	[smem:$0x3FAC] =	sst s8  }
0x11: {  	[smem:$0x3FAD] =	sst s9;
	s0 =	simm.s32 @!p0 $0x0  }
0x12: {  	s1 =	sld [smem:$0x3F93];
	s0 =	simm.s32 @p0 $0x1  }
0x13: {  	[smem:$0x3FAE] =	sst s0;
	s0 =	simm.s32 @!p1 $0x0  }
0x14: {  	s2 =	sld [smem:$0x3F92];
	s0 =	simm.s32 @p1 $0x1  }
0x15: {  	[smem:$0x3FAF] =	sst s0;
	s0 =	simm.s32 @!p2 $0x0  }
0x16: {  	s3 =	sld [smem:$0x3FDB];
	s0 =	simm.s32 @p2 $0x1  }
0x17: {  	s4 =	simm.s32 $0x1BF5;
	[smem:$0x3FB1] =	sst s0  }
0x18: {  	s0 =	sld [smem:$0x3F94];
	_ =	swait.ge [sflag:s4], $0x0  }
0x19: {  	s7 =	sld [smem:$0x3F95]  }
0x1a: {  	s8 =	sadd.s32 $0xFFFFE003, lr  }
0x1b: {  	s9 =	sadd.s32 $0xFFFFFEF7, lr;
	s5 =	simm.s32 $0xFFFFFFFF;
	p2 =	slt.u32 s8, $0xFFFFF086  }
0x1c: {  	p1 =	slt.u32 s9, $0xF7A;
	s5 =	simm.s32 @!p2 $0x0  }
0x1d: {  	s5 =	simm.s32 @p1 $0x1;
	p0 =	seq.s32 s7, s2  }
0x1e: {  	s7 =	smul.u32 @!p0 $0xF7A, s2;
	p2 =	seq.s32 @!p0 s5, $0x0  }
0x1f: {  	s9 =	smul.u32 $0xF7A, s1;
	s8 =	simm.s32 @!p0 $0x1BF5;
	p2 =	por !p2, p0  }
0x20: {  	[sflag:s8] =	ssyncset.s32 @!p0 $0xFFFFF086;
	s6 =	sadd.s32 @!p0 s3, s7;
	s7 =	simm.s32 @!p0 $0x108  }
0x21: {  	s3 =	sadd.s32 s3, s9;
	s6 =	sadd.s32 @!p0 $0x88, s6;
	s7 =	simm.s32 @p2 $0x1082  }
0x22: {  	[simem:s7], [sflag:s8] =	dma.local @!p0 [hbm:s6], $0xF7A  }
0x23: {  	s9 =	sor.u32 $0xD0000000, s2;
	s6 =	simm.s32 $0x108;
	_ =	swait.ge @!p0 [sflag:s8], $0x0  }
0x24: {  	s3 =	sadd.s32 $0x88, s3;
	s6 =	simm.s32 @!p1 $0x1082;
	[sflag:s4] =	ssyncset.s32 $0xFFFFF086  }
0x25: {  	[simem:s6], [sflag:s4] =	dma.local [hbm:s3], $0xF7A  }
0x26: {  	[smem:$0x3F95] =	sst s1;
	(tag) =	ssettag s2;
	_ =	strace s9  }
0x27: {  	s1 =	sld [smem:$0x3FA5]  }
0x28: {  	s2 =	sld [smem:$0x3FA6]  }
0x29: {  	s4 =	sld [smem:$0x3FA8]  }
0x2a: {  	p0 =	seq.s32 s5, $0x0;
	s5 =	sld [smem:$0x3FA9]  }
0x2b: {  	s6 =	sld [smem:$0x3FAA]  }
0x2c: {  	s7 =	sld [smem:$0x3FAB]  }
0x2d: {  	s3 =	simm.s32 $0x108;
	s8 =	sld [smem:$0x3FAC]  }
0x2e: {  	s3 =	simm.s32 @!p0 $0x1082;
	s9 =	sld [smem:$0x3FAD]  }
0x2f: {  	lr =	sadd.s32 s0, s3;
	s0 =	sld [smem:$0x3FA4]  }
0x30: {  	s3 =	sld [smem:$0x3FA7]  }
0x31: {  	[smem:$0x3FB0] =	sst s10  }
0x32: {  	s10 =	sld [smem:$0x3FAE];
	_ =	sdelay $0x3  }
0x33: {  	p0 =	seq.s32 s10, $0x1;
	s10 =	sld [smem:$0x3FB0];
	_ =	sdelay $0x3  }
0x34: {  	[smem:$0x3FB0] =	sst s10  }
0x35: {  	s10 =	sld [smem:$0x3FAF];
	_ =	sdelay $0x3  }
0x36: {  	p1 =	seq.s32 s10, $0x1;
	s10 =	sld [smem:$0x3FB0];
	_ =	sdelay $0x3  }
0x37: {  	[smem:$0x3FB0] =	sst s10  }
0x38: {  	s10 =	sld [smem:$0x3FB1]  }
0x39: {  	_ = 	snop;
	(pc) =	sbr.ind lr, $3  }
0x3a: {  	_ = 	snop  }
0x3b: {  	_ = 	snop  }
0x3c: {  	p2 =	seq.s32 s10, $0x1;
	s10 =	sld [smem:$0x3FB0]  }
0x3d: {  	_ =	shalt  }
0x3e: {  	_ =	shalt  }
0x3f: {  	_ =	shalt  }
0x40: {  	_ =	shalt  }
0x41: {  	_ =	shalt  }
0x42: {  	_ =	shalt  }
0x43: {  	_ =	shalt  }
0x44: {  	_ =	shalt  }
0x45: {  	_ =	shalt  }
0x46: {  	_ =	shalt  }
0x47: {  	_ =	shalt  }
0x48: {  	_ =	shalt  }
0x49: {  	_ =	shalt  }
0x4a: {  	_ =	shalt  }
0x4b: {  	_ =	shalt  }
0x4c: {  	_ =	shalt  }
0x4d: {  	_ =	shalt  }
0x4e: {  	_ =	shalt  }
0x4f: {  	_ =	shalt  }
0x50: {  	_ =	shalt  }
0x51: {  	_ =	shalt  }
0x52: {  	_ =	shalt  }
0x53: {  	_ =	shalt  }
0x54: {  	_ =	shalt  }
0x55: {  	_ =	shalt  }
0x56: {  	_ =	shalt  }
0x57: {  	_ =	shalt  }
0x58: {  	_ =	shalt  }
0x59: {  	_ =	shalt  }
0x5a: {  	_ =	shalt  }
0x5b: {  	_ =	shalt  }
0x5c: {  	_ =	shalt  }
0x5d: {  	_ =	shalt  }
0x5e: {  	_ =	shalt  }
0x5f: {  	_ =	shalt  }
0x60: {  	_ =	shalt  }
0x61: {  	_ =	shalt  }
0x62: {  	_ =	shalt  }
0x63: {  	_ =	shalt  }
0x64: {  	_ =	shalt  }
0x65: {  	_ =	shalt  }
0x66: {  	_ =	shalt  }
0x67: {  	_ =	shalt  }
0x68: {  	_ =	shalt  }
0x69: {  	_ =	shalt  }
0x6a: {  	_ =	shalt  }
0x6b: {  	_ =	shalt  }
0x6c: {  	_ =	shalt  }
0x6d: {  	_ =	shalt  }
0x6e: {  	_ =	shalt  }
0x6f: {  	_ =	shalt  }
0x70: {  	_ =	shalt  }
0x71: {  	_ =	shalt  }
0x72: {  	_ =	shalt  }
0x73: {  	_ =	shalt  }
0x74: {  	_ =	shalt  }
0x75: {  	_ =	shalt  }
0x76: {  	_ =	shalt  }
0x77: {  	_ =	shalt  }
0x78: {  	_ =	shalt  }
0x79: {  	_ =	shalt  }
0x7a: {  	_ =	shalt  }
0x7b: {  	_ =	shalt  }
0x7c: {  	_ =	shalt  }
0x7d: {  	_ =	shalt  }
0x7e: {  	_ =	shalt  }
0x7f: {  	_ =	shalt  }
0x80: {  	_ =	shalt  }
0x81: {  	_ =	shalt  }
0x82: {  	_ =	shalt  }
0x83: {  	_ =	shalt  }
0x84: {  	_ =	shalt  }
0x85: {  	_ =	shalt  }
0x86: {  	_ =	shalt  }
0x87: {  	_ =	shalt  }
.Lfunc_end0:
.L_simem_size_0:
called_computation.1_lowered:
.L_overlay_start_0:
0x88: {  	s2 =	sld [smem:$0x3FD9]  }
0x89: {  	s3 =	sld [smem:$0x3FFE];
	_ =	sdelay $0x1  }
0x8a: {  	s1 =	srdreg.scid  }
0x8b: {  	s0 =	sand.u32 $0x1, s1  }
0x8c: {  	s16 =	sshll.u32 s0, $0xA;
	s2 =	sadd.s32 s3, s2  }
0x8d: {  	s2 =	sadd.s32 s2, s16  }
0x8e: {  	[smem:$0x3FBC] =	sst s2  }
0x8f: {  	_ = 	snop  }
0x90: {  	(tm) =	ssettm $0x1  }
0x91: {  	s17 =	sld [smem:$0x3FFB];
	_ =	sdelay $0x3  }
0x92: {  	_ =	strace s17  }
0x93: {  	s2 =	sld [smem:$0x3FFC];
	_ =	sdelay $0x3  }
0x94: {  	_ =	strace s2  }
0x95: {  	s2 =	sld [smem:$0x3FFD];
	_ =	sdelay $0x3  }
0x96: {  	_ =	strace s2  }
0x97: {  	_ =	strace $0x8FFFFFFF  }
0x98: {  	s18 =	sld [smem:$0x3FDB];
	_ =	sdelay $0x1  }
0x99: {  	s19 =	simm.s32 $_scs_section_size  }
0x9a: {  	s4 =	simm.s32 $_size__tile_overlayer_lowered;
	s5 =	simm.s32 $_tile_overlayer_lowered  }
0x9b: {  	s22 =	simm.s32 $0x1BFF;
	s21 =	sshll.u32 s5, $0x1;
	s2 =	sadd.s32 s19, s18  }
0x9c: {  	s6 =	simm.s32 $0x0;
	s20 =	sshll.u32 s4, $0x1;
	s4 =	sadd.s32 s21, s2  }
0x9d: {  	[timem:s6], [sflag:s22] =	dma.local [hbm:s4], s20  }
0x9e: {  	_ =	swait.ge [sflag:s22], s20  }
0x9f: {  	s3 =	ssub.s32 $0x0, s20;
	[sflag:s22] =	ssyncset.done $0x0  }
0xa0: {  	[sflag:s22] =	ssyncadd.s32 s3;
	_ =	sdelay $0x1  }
0xa1: {  	s23 =	simm.s32 $0x1B8B  }
0xa2: {  	_ =	swait.ge [sflag:s23], $0x1  }
0xa3: {  	[sflag:s23] =	ssyncset.done $0x0  }
0xa4: {  	s25 =	simm.s32 $0x1B8E;
	s24 =	sld [smem:$0x3FFE];
	[sflag:s23] =	ssyncadd.s32 $0xFFFFFFFF  }
0xa5: {  	s26 =	simm.s32 $execute0_lowered;
	[smem:$0x3FD2] =	sst s25  }
0xa6: {  	s4 =	sshll.u32 s26, $0x1;
	_ =	strace $0x80000046;
	[dreg:$0x1] =	wrdreg $0xFFFFFFFF  }
0xa7: {  	s28 =	simm.s32 $_size_execute0_lowered;
	s2 =	sadd.s32 s2, s4;
	[dreg:$0x0] =	wrdreg $0x0  }
0xa8: {  	s4 =	sshll.u32 s28, $0x1;
	[dreg:$0x2] =	wrdreg s2  }
0xa9: {  	[dreg:$0x3] =	wrdreg s4  }
0xaa: {  	[dreg:$0x4] =	wrdreg $0xC0  }
0xab: {  	_ =	task [dreg:s6], $0x5FFFF  }
0xac: {  	[dreg:$0x1] =	wrdreg $0xFFFFFFFF  }
0xad: {  	[dreg:$0x0] =	wrdreg $0x60  }
0xae: {  	[dreg:$0x2] =	wrdreg s24  }
0xaf: {  	[dreg:$0x3] =	wrdreg $0x9  }
0xb0: {  	_ =	task.clear_ibuf [dreg:s6], $0x4FFFF;
	_ =	strace $0x90000046  }
0xb1: {  	s29 =	simm.s32 $0x9;
	_ =	strace $0x80000048  }
0xb2: {  	_ =	swait.ge [sflag:s29], $0x1  }
0xb3: {  	[sflag:s29] =	ssyncadd.s32 $0xFFFFFFFF  }
0xb4: {  	_ =	strace $0x90000048  }
0xb5: {  	_ =	sfence  }
0xb6: {  	s30 =	sld [smem:$0x0];
	_ =	sdelay $0x2  }
0xb7: {  	s31 =	sshll.u32 s1, $0xD;
	s1 =	sshrl.u32 s1, $0x2  }
0xb8: {  	s3 =	sand.u32 $0x4000, s31;
	s1 =	sadd.s32 s1, s30  }
0xb9: {  	s0 =	sor.u32 s3, s0;
	s1 =	sshll.u32 s1, $0x11  }
0xba: {  	s0 =	sor.u32 s1, s0  }
0xbb: {  	s0 =	sadd.s32 $0x8F2B, s0  }
0xbc: {  	[sflag:s0] =	ssyncadd.remote.s32 $0x1  }
0xbd: {  	_ =	sfence.sel $0xFFFF  }
0xbe: {  	[dreg:$0x0] =	wrdreg $0xFFFFFFFF;
	(pc) =	sbr.abs _section_cstart, $3  }
0xbf: {  	[dreg:$0x1] =	wrdreg $0xFFFFFFFF  }
0xc0: {  	_ =	task.clear_ibuf [dreg:s6], $0x2FFFF;
	_ =	strace $0x9FFFFFFF  }
0xc1: {  	(tm) =	ssettm $0x7FFFFFFF  }
tec
execute0_lowered:
.L_overlay_start_1:
0x0: {  	(tag) =	ssettag $0x1  }
0x1: {  	s1 =	srdreg.scid  }
0x2: {  	s0 =	stileid.u32;
	s4 =	rddreg [dreg:$0x0]  }
0x3: {  	s11 =	simm.s32 $0x3200;
	s12 =	simm.s32 $0x1;
	s13 =	simm.s32 $0x80  }
0x4: {  	s14 =	simm.s32 $0x5200;
	s15 =	simm.s32 $0x2;
	s16 =	simm.s32 $0x3180  }
0x5: {  	s5 =	sand.u32 $0x1, s1;
	s2 =	sshll.u32 s0, $0x1;
	s7 =	sshrl.u32 s0, $0x2  }
0x6: {  	s17 =	simm.s32 $0x0;
	s3 =	sor.u32 s5, s2;
	s7 =	smul.u32 $0x640000, s7  }
0x7: {  	s1 =	rddreg [dreg:$0x1];
	s6 =	smul.u32 $0x640, s3;
	s3 =	sand.u32 $0x7, s3  }
0x8: {  	s2 =	simm.s32 $0x0;
	s5 =	ssub.s32 $0x2, s5;
	s8 =	smul.u32 $0xC8000, s3  }
0x9: {  	s9 =	sadd.s32 $0x7B7400, s4;
	[smem:$0x7FF] =	sst s2;
	s30 =	sshrl.u32 s5, $0x1  }
0xa: {  	_ =	strace $0x80000047;
	s3 =	sadd.s32 $0x2C00, s4;
	s7 =	sadd.s32 s7, s8  }
0xb: {  	s5 =	ssub.s32 s5, s30;
	s6 =	sadd.s32 s6, s4;
	s31 =	sshrl.u32 s7, $0x3  }
0xc: {  	s4 =	sadd.s32 $0x7AAC00, s6;
	s10 =	sor.u32 $0x2000, s7;
	s6 =	sadd.s32 s31, s9  }
0xd: {  	s5 =	smax.u32 s5, $0x1;
	s10 =	sshrl.u32 s10, $0x3;
	s7 =	sadd.s32 $0x18800, s6  }
0xe: {  	s8 =	sadd.s32 $0x18C00, s6;
	s9 =	sadd.s32 s10, s9;
	s10 =	simm.s32 $0x3  }
.LBB2_1:
0xf: {  	[tilespmem:s2], [sflag:$0x3] =	stream.linear.gather [hbm4b:s4+s2], $0x3200, $0x38;
	[tilespmem:$0x7200] =	vst v63  }
0x10: {  	_ =	swait.ge [sflag:s10], $0x3200  }
0x11: {  	[sflag:s10] =	ssyncset.done $0x0  }
0x12: {  	[sflag:s10] =	ssyncadd.s32 $0xFFFFCE00  }
0x13: {  	[tilespmem:s11], [sflag:$0x1] =	stream.indirect.gather [hbm4b:s3+s13], $0x40, s2, s13, $0xb8;
	[tilespmem:$0x7200] =	vst v63  }
0x14: {  	_ =	swait.ge [sflag:s12], $0x2000  }
0x15: {  	[sflag:s12] =	ssyncset.done $0x0  }
0x16: {  	[sflag:s12] =	ssyncadd.s32 $0xFFFFE000  }
0x17: {  	[tilespmem:s14], [sflag:$0x2] =	stream.indirect.gather [hbm4b:s3+s13], $0x40, s13, s13, $0xb8;
	[tilespmem:$0x7200] =	vst v63  }
0x18: {  	s18 =	sadd.s32 $0x0, s6  }
0x19: {  	[hbm4b:s18+s2] =	stream.linear.scatter [tilespmem:s11], [sflag:$0x3], $0x2000, $0x38;
	[tilespmem:$0x7200] =	vst v63  }
0x1a: {  	_ =	swait.ge [sflag:s10], $0x2000  }
0x1b: {  	[sflag:s10] =	ssyncset.done $0x0  }
0x1c: {  	[sflag:s10] =	ssyncadd.s32 $0xFFFFE000  }
0x1d: {  	_ =	swait.ge [sflag:s15], $0x2000  }
0x1e: {  	[sflag:s15] =	ssyncset.done $0x0  }
0x1f: {  	s30 =	simm.s32 $0x100;
	[sflag:s15] =	ssyncadd.s32 $0xFFFFE000  }
0x20: {  	[tilespmem:s11], [sflag:$0x1] =	stream.indirect.gather [hbm4b:s3+s13], $0x40, s30, s13, $0xb8;
	[tilespmem:$0x7200] =	vst v63  }
0x21: {  	s31 =	sadd.s32 $0x0, s9  }
0x22: {  	[hbm4b:s31+s2] =	stream.linear.scatter [tilespmem:s14], [sflag:$0x3], $0x2000, $0x38;
	[tilespmem:$0x7200] =	vst v63  }
0x23: {  	_ =	swait.ge [sflag:s10], $0x2000  }
0x24: {  	s19 =	simm.s32 $0x80;
	s18 =	simm.s32 $0x800;
	[sflag:s10] =	ssyncset.done $0x0  }
.LBB2_2:
0x25: {  	p0 =	sne.s32 s18, $0x18000;
	[sflag:s10] =	ssyncadd.s32 $0xFFFFE000;
	s19 =	sadd.s32 $0x100, s19  }
0x26: {  	s20 =	smov.u32 s18;
	s18 =	sadd.s32 $0x800, s18  }
0x27: {  	_ =	swait.ge [sflag:s12], $0x2000  }
0x28: {  	[sflag:s12] =	ssyncset.done $0x0  }
0x29: {  	[sflag:s12] =	ssyncadd.s32 $0xFFFFE000  }
0x2a: {  	[tilespmem:s14], [sflag:$0x2] =	stream.indirect.gather [hbm4b:s3+s13], $0x40, s19, s13, $0xb8;
	[tilespmem:$0x7200] =	vst v63  }
0x2b: {  	s21 =	sadd.s32 s20, s6  }
0x2c: {  	[hbm4b:s21+s2] =	stream.linear.scatter [tilespmem:s11], [sflag:$0x3], $0x2000, $0x38;
	[tilespmem:$0x7200] =	vst v63  }
0x2d: {  	_ =	swait.ge [sflag:s10], $0x2000  }
0x2e: {  	[sflag:s10] =	ssyncset.done $0x0  }
0x2f: {  	[sflag:s10] =	ssyncadd.s32 $0xFFFFE000  }
0x30: {  	_ =	swait.ge [sflag:s15], $0x2000  }
0x31: {  	[sflag:s15] =	ssyncset.done $0x0  }
0x32: {  	s21 =	sadd.s32 $0x80, s19;
	[sflag:s15] =	ssyncadd.s32 $0xFFFFE000  }
0x33: {  	[tilespmem:s11], [sflag:$0x1] =	stream.indirect.gather [hbm4b:s3+s13], $0x40, s21, s13, $0xb8;
	[tilespmem:$0x7200] =	vst v63  }
.Ltmp0:
0x34: {  	_ = 	snop;
	(pc) =	sbr.rel @p0 .LBB2_2-.Ltmp0, $4  }
0x35: {  	s20 =	sadd.s32 s20, s9  }
0x36: {  	[hbm4b:s20+s2] =	stream.linear.scatter [tilespmem:s14], [sflag:$0x3], $0x2000, $0x38;
	[tilespmem:$0x7200] =	vst v63  }
0x37: {  	_ =	swait.ge [sflag:s10], $0x2000  }
0x38: {  	[sflag:s10] =	ssyncset.done $0x0  }
0x39: {  	[sflag:s10] =	ssyncadd.s32 $0xFFFFE000  }
0x3a: {  	_ =	swait.ge [sflag:s12], $0x2000  }
0x3b: {  	[sflag:s12] =	ssyncset.done $0x0  }
0x3c: {  	[sflag:s12] =	ssyncadd.s32 $0xFFFFE000  }
0x3d: {  	[tilespmem:s14], [sflag:$0x2] =	stream.indirect.gather [hbm4b:s3+s13], $0x40, s16, s13, $0xb8;
	[tilespmem:$0x7200] =	vst v63  }
0x3e: {  	_ = 	snop  }
0x3f: {  	[hbm4b:s7+s2] =	stream.linear.scatter [tilespmem:s11], [sflag:$0x3], $0x2000, $0x38;
	[tilespmem:$0x7200] =	vst v63  }
0x40: {  	_ =	swait.ge [sflag:s10], $0x2000  }
0x41: {  	[sflag:s10] =	ssyncset.done $0x0  }
0x42: {  	[sflag:s10] =	ssyncadd.s32 $0xFFFFE000  }
0x43: {  	s17 =	sadd.s32 $0x1, s17;
	_ =	swait.ge [sflag:s15], $0x2000  }
0x44: {  	p0 =	sne.s32 s17, s5;
	[sflag:s15] =	ssyncset.done $0x0  }
.Ltmp1:
0x45: {  	[sflag:s15] =	ssyncadd.s32 $0xFFFFE000;
	(pc) =	sbr.rel @p0 .LBB2_1-.Ltmp1, $4  }
0x46: {  	[hbm4b:s8+s2] =	stream.linear.scatter [tilespmem:s14], [sflag:$0x3], $0x2000, $0x38;
	[tilespmem:$0x7200] =	vst v63  }
0x47: {  	_ =	swait.ge [sflag:s10], $0x2000  }
0x48: {  	[sflag:s10] =	ssyncset.done $0x0  }
0x49: {  	[sflag:s10] =	ssyncadd.s32 $0xFFFFE000  }
0x4a: {  	_ =	sfence.sel $0x180000  }
0x4b: {  	[bflag:$0x0] =	sbarrier.arrive $0xFFFF  }
0x4c: {  	p0 =	sne.s32 s0, $0x0;
	_ =	strace $0x90000047  }
0x4d: {  	s0 =	sadd.s32 @!p0 $0x100000, s1;
	[bflag:$0x2] =	sbarrier.arrive $0xFFFF  }
0x4e: {  	[sflag:s0] =	ssyncadd.tile.s32 @!p0 $0x1;
	_ =	shalt  }
.Lfunc_end2:
_tile_overlayer_lowered:
.L_overlay_start_2:
0x4f: {  	(tag) =	ssettag $0x2  }
0x50: {  	s0 =	rddreg [dreg:$0x0];
	s2 =	stileid.u32  }
0x51: {  	s1 =	rddreg [dreg:$0x1];
	p0 =	sne.s32 s2, $0x0  }
0x52: {  	s3 =	rddreg [dreg:$0x2];
	[bflag:$0x3] =	sbarrier.arrive $0xFFFF;
	s2 =	simm.s32 @!p0 $0x1C03  }
0x53: {  	[timem:s3], [sflag:s2] =	dma.local @!p0 [hbm:s0], s1  }
0x54: {  	s0 =	simm.s32 @!p0 $0x3  }
0x55: {  	_ =	swait.ge @!p0 [sflag:s0], s1  }
0x56: {  	s1 =	ssub.s32 @!p0 $0x0, s1;
	[sflag:s0] =	ssyncset.done @!p0 $0x0  }
0x57: {  	[sflag:s0] =	ssyncadd.s32 @!p0 s1  }
0x58: {  	[bflag:$0x3] =	sbarrier.arrive $0xFFFF  }
0x59: {  	_ =	shalt  }

// kernel: sparse-core-data-format-call.cloned.1.call-start
scs
called_computation_lowered:
.L_overlay_start_0:
0x0: {  	s2 =	sld [smem:$0x3FD9]  }
0x1: {  	s3 =	sld [smem:$0x3FFE];
	_ =	sdelay $0x1  }
0x2: {  	s1 =	srdreg.scid  }
0x3: {  	s0 =	sand.u32 $0x1, s1  }
0x4: {  	s15 =	sshll.u32 s0, $0xA;
	s2 =	sadd.s32 s3, s2  }
0x5: {  	s2 =	sadd.s32 s2, s15  }
0x6: {  	[smem:$0x3FBC] =	sst s2  }
0x7: {  	_ = 	snop  }
0x8: {  	s2 =	sld [smem:$0x3FD0];
	_ =	sdelay $0x2  }
0x9: {  	s16 =	simm.s32 $0xB;
	s4 =	simm.s32 $0x10  }
0xa: {  	[smem:s4], [sflag:s16] =	dma.local [hbm:s2], $0x1  }
0xb: {  	_ =	swait.eq [sflag:s16], $0x1  }
0xc: {  	[sflag:s16] =	ssyncset.done $0x0  }
0xd: {  	[sflag:s16] =	ssyncadd.s32 $0xFFFFFFFF  }
0xe: {  	s17 =	sld [smem:$0x10];
	(tm) =	ssettm $0x1  }
0xf: {  	s18 =	sld [smem:$0x3FFB];
	_ =	sdelay $0x3  }
0x10: {  	_ =	strace s18  }
0x11: {  	s3 =	sld [smem:$0x3FFC];
	_ =	sdelay $0x3  }
0x12: {  	_ =	strace s3  }
0x13: {  	s3 =	sld [smem:$0x3FFD];
	_ =	sdelay $0x3  }
0x14: {  	_ =	strace s3  }
0x15: {  	_ =	strace $0x8FFFFFFF  }
0x16: {  	s19 =	sld [smem:$0x3FDB];
	_ =	sdelay $0x1  }
0x17: {  	s20 =	simm.s32 $_scs_section_size  }
0x18: {  	s5 =	simm.s32 $_size__tile_overlayer_lowered;
	s6 =	simm.s32 $_tile_overlayer_lowered  }
0x19: {  	s23 =	simm.s32 $0x1BFF;
	s22 =	sshll.u32 s6, $0x1;
	s3 =	sadd.s32 s20, s19  }
0x1a: {  	s7 =	simm.s32 $0x0;
	s21 =	sshll.u32 s5, $0x1;
	s5 =	sadd.s32 s22, s3  }
0x1b: {  	[timem:s7], [sflag:s23] =	dma.local [hbm:s5], s21  }
0x1c: {  	_ =	swait.ge [sflag:s23], s21  }
0x1d: {  	s4 =	ssub.s32 $0x0, s21;
	[sflag:s23] =	ssyncset.done $0x0  }
0x1e: {  	[sflag:s23] =	ssyncadd.s32 s4;
	_ =	sdelay $0x1  }
0x1f: {  	s24 =	simm.s32 $0x1B8B  }
0x20: {  	_ =	swait.ge [sflag:s24], $0x1  }
0x21: {  	[sflag:s24] =	ssyncset.done $0x0  }
0x22: {  	s26 =	simm.s32 $0x1B8E;
	s25 =	sld [smem:$0x3FFE];
	[sflag:s24] =	ssyncadd.s32 $0xFFFFFFFF  }
0x23: {  	s27 =	simm.s32 $execute0_lowered;
	[smem:$0x3FD2] =	sst s26  }
0x24: {  	s5 =	sshll.u32 s27, $0x1;
	_ =	strace $0x8000004C;
	[dreg:$0x1] =	wrdreg $0xFFFFFFFF  }
0x25: {  	s28 =	simm.s32 $_size_execute0_lowered;
	s3 =	sadd.s32 s3, s5;
	[dreg:$0x0] =	wrdreg $0x0  }
0x26: {  	s5 =	sshll.u32 s28, $0x1;
	[dreg:$0x2] =	wrdreg s3  }
0x27: {  	[dreg:$0x3] =	wrdreg s5  }
0x28: {  	[dreg:$0x4] =	wrdreg $0xC0  }
0x29: {  	_ =	task [dreg:s7], $0x5FFFF  }
0x2a: {  	[dreg:$0x1] =	wrdreg $0xFFFFFFFF  }
0x2b: {  	[dreg:$0x0] =	wrdreg $0x60  }
0x2c: {  	[dreg:$0x2] =	wrdreg s25  }
0x2d: {  	[dreg:$0x3] =	wrdreg s17  }
0x2e: {  	[dreg:$0x4] =	wrdreg $0x9  }
0x2f: {  	_ =	task.clear_ibuf [dreg:s7], $0x5FFFF;
	_ =	strace $0x9000004C  }
0x30: {  	s29 =	simm.s32 $0x9;
	_ =	strace $0x8000004E  }
0x31: {  	_ =	swait.ge [sflag:s29], $0x1  }
0x32: {  	[sflag:s29] =	ssyncadd.s32 $0xFFFFFFFF  }
0x33: {  	_ =	strace $0x9000004E  }
0x34: {  	_ =	sfence  }
0x35: {  	s30 =	sld [smem:$0x0];
	_ =	sdelay $0x2  }
0x36: {  	s31 =	sshll.u32 s1, $0xD;
	s1 =	sshrl.u32 s1, $0x2  }
0x37: {  	s3 =	sand.u32 $0x4000, s31;
	s1 =	sadd.s32 s1, s30  }
0x38: {  	s0 =	sor.u32 s3, s0;
	s1 =	sshll.u32 s1, $0x11  }
0x39: {  	s0 =	sor.u32 s1, s0  }
0x3a: {  	s0 =	sadd.s32 $0x8F2B, s0  }
0x3b: {  	[sflag:s0] =	ssyncadd.remote.s32 $0x1  }
0x3c: {  	_ =	sfence.sel $0xFFFF  }
0x3d: {  	[dreg:$0x0] =	wrdreg $0xFFFFFFFF;
	(pc) =	sbr.abs _section_cstart, $3  }
0x3e: {  	[dreg:$0x1] =	wrdreg $0xFFFFFFFF  }
0x3f: {  	_ =	task.clear_ibuf [dreg:s7], $0x2FFFF;
	_ =	strace $0x9FFFFFFF  }
0x40: {  	(tm) =	ssettm $0x7FFFFFFF  }
0x41: {  	_ =	shalt  }
tec
execute0_lowered:
.L_overlay_start_1:
0x0: {  	(tag) =	ssettag $0x1  }
0x1: {  	s0 =	stileid.u32;
	s6 =	rddreg [dreg:$0x0]  }
0x2: {  	s2 =	rddreg [dreg:$0x1];
	s5 =	srdreg.scid  }
0x3: {  	s31 =	simm.s32 $0x2;
	s13 =	simm.s32 $0x0;
	s1 =	sshll.u32 s0, $0x7  }
0x4: {  	s14 =	simm.s32 $0x0;
	s12 =	simm.s32 $0x0;
	s3 =	sand.u32 $0x380, s1  }
0x5: {  	s5 =	sshll.u32 s5, $0x4;
	s6 =	sadd.s32 $0x2C00, s6;
	s4 =	ssub.s32 $0x400, s3  }
0x6: {  	s1 =	rddreg [dreg:$0x2];
	_ =	strace $0x8000004D;
	s7 =	sand.u32 $0x380, s4  }
0x7: {  	s5 =	sand.u32 $0x10, s5;
	p0 =	sne.s32 s7, $0x0;
	s7 =	simm.s32 $0x1  }
.Ltmp0:
0x8: {  	s8 =	sshrl.u32 s4, $0xA;
	s7 =	simm.s32 @!p0 $0x0;
	(pc) =	sbr.rel .LBB1_1-.Ltmp0, $4  }
0x9: {  	s9 =	sor.u32 s0, s5;
	s4 =	simm.s32 $0x1;
	s30 =	sadd.s32 s7, s8  }
0xa: {  	s11 =	smov.u32 s3;
	[sflag:s4] =	ssyncpa.u1 $0x0;
	s5 =	smul.u32 $0x32, s30  }
0xb: {  	[sflag:s31] =	ssyncpa.u1 $0x0;
	p0 =	por $0x0, $0x0;
	s7 =	sshrl.u32 s9, $0x3  }
0xc: {  	s9 =	simm.s32 $0x2000;
	s10 =	smov.u32 s7;
	s8 =	sor.u32 $0x1, s5  }
.LBB1_4:
0xd: {  	s17 =	sand.u32 $0x1F80, s14;
	s13 =	sshll.u32 s13, $0xD  }
0xe: {  	[tilespmem:s16+$0x810 ss:$0x81] =	vst.msk $0xffff, v2;
	s18 =	sshrl.u32 s14, $0x3;
	s31 =	sand.u32 $0x7, s14;
	s17 =	sadd.s32 s2, s17  }
0xf: {  	[tilespmem:s16+$0x1020 ss:$0x81] =	vst.msk $0xffff, v0;
	s18 =	sand.u32 $0xF, s18;
	s14 =	sshll.u32 s31, $0x12;
	s13 =	sadd.s32 s13, s17  }
0x10: {  	[tilespmem:s16+$0x0 ss:$0x81] =	vst.msk $0xffff, v1;
	s14 =	sor.u32 $0x400, s14;
	s13 =	sadd.s32 s18, s13  }
0x11: {  	[hbm4b:s13+s14] =	stream.strided.scatter [tilespmem:s15], [sflag:$0x2], $0x2000, s9, s14, $0x20;
	[tilespmem:$0x8080] =	vst v63  }
.LBB1_5:
0x12: {  	s15 =	sadd.s32 $0x4, s10  }
0x13: {  	s13 =	sadd.s32 $0x400, s11;
	s17 =	smov.u32 s11;
	p2 =	sgt.s32 s15, $0xC7  }
0x14: {  	s17 =	smov.u32 @p2 s13  }
0x15: {  	s15 =	smov.u32 @p2 s7;
	p2 =	sgt.s32 s17, $0x3FF  }
0x16: {  	s17 =	smov.u32 @p2 s3;
	p2 =	sne.s32 s12, s8  }
.Ltmp1:
0x17: {  	p1 =	slt.u32 s12, $0x2;
	(pc) =	sbr.rel @!p2 .LBB1_6-.Ltmp1, $4  }
0x18: {  	s16 =	simm.s32 @!p1 $0x2  }
0x19: {  	s14 =	smov.u32 s11;
	p0 =	por !p0, !p0;
	_ =	swait.ge @!p1 [sflag:s16], $0x2000  }
0x1a: {  	s13 =	smov.u32 s10;
	[sflag:s16] =	ssyncset.done @!p1 $0x0;
	s10 =	smov.u32 s15  }
0x1b: {  	s12 =	sadd.s32 $0x1, s12;
	[sflag:s16] =	ssyncadd.s32 @!p1 $0xFFFFE000;
	s11 =	smov.u32 s17  }
.LBB1_1:
0x1c: {  	p1 =	sge.u32 s12, s5  }
0x1d: {  	s15 =	sand.u32 @!p1 $0x1FFFFFF, s10  }
0x1e: {  	s16 =	smulhi.u32 @!p1 $0x147AE15, s15;
	_ =	sdelay $0x1  }
0x1f: {  	s16 =	smul.u32 @!p1 $0xC8, s16  }
0x20: {  	s17 =	sxor.u32 @!p1 $0xFFFFFFFF, s12;
	s18 =	smul.u32 @!p1 $0xC80, s11  }
0x21: {  	s31 =	sadd.s32 $0xFFFFFFFF, s12;
	s17 =	sshll.u32 @!p1 s17, $0xD;
	s15 =	ssub.s32 @!p1 s15, s16  }
0x22: {  	s16 =	sand.u32 @!p1 $0x2000, s17;
	s17 =	sadd.s32 @!p1 s6, s18;
	s15 =	sshll.u32 @!p1 s15, $0x4  }
0x23: {  	s18 =	simm.s32 @!p1 $0x6400;
	s15 =	sadd.s32 @!p1 s15, s17;
	s17 =	simm.s32 @!p1 $0x40  }
0x24: {  	[tilespmem:s16], [sflag:$0x1] =	stream.strided.gather @!p1 [hbm4b:s15+s17], $0x2000, s18, s17, $0x38;
	[tilespmem:$0x8080] =	vst v63  }
0x25: {  	p1 =	sge.u32 s31, s5  }
.Ltmp2:
0x26: {  	_ = 	snop;
	(pc) =	sbr.rel @p1 .LBB1_5-.Ltmp2, $1  }
0x27: {  	_ =	sdelay $0x3  }
0x28: {  	s15 =	simm.s32 $0x1  }
0x29: {  	_ =	swait.ge [sflag:s4], $0x2000;
	s15 =	simm.s32 @!p0 $0x0  }
0x2a: {  	[sflag:s4] =	ssyncset.done $0x0;
	s16 =	sshll.u32 s15, $0xD  }
0x2b: {  	[sflag:s4] =	ssyncadd.s32 $0xFFFFE000;
	s19 =	sor.u32 $0x20, s16  }
0x2c: {  	s15 =	smul.u32 $0x8100, s15;
	v3 =	vld [tilespmem:s19+$0x10]  }
0x2d: {  	s30 =	sand.u32 $0x1, s12;
	v2 =	vld [tilespmem:s19+$0xFFFFFFF0]  }
0x2e: {  	s16 =	smul.u32 $0x8100, s30;
	s15 =	sshrl.u32 s15, $0x2;
	v0 =	vld [tilespmem:s19+$0x0]  }
0x2f: {  	v1 =	vld [tilespmem:s19+$0xFFFFFFE0];
	s17 =	sor.u32 $0x4000, s15  }
0x30: {  	s31 =	sshrl.u32 s16, $0x2;
	s16 =	sadd.s32 $0x0, s17  }
0x31: {  	s18 =	simm.s32 $0x4;
	s19 =	sadd.s32 $0x40, s19;
	s15 =	sor.u32 $0x4000, s31;
	[tilespmem:s16+$0x1830 ss:$0x81] =	vst.msk $0xffff, v3  }
.LBB1_3:
0x32: {  	v3 =	vld [tilespmem:s19+$0x10];
	p1 =	sne.s32 s18, $0x1FC;
	[tilespmem:s16+$0x810 ss:$0x81] =	vst.msk $0xffff, v2;
	s20 =	smov.u32 s18;
	s18 =	sadd.s32 $0x4, s18  }
.Ltmp3:
0x33: {  	v2 =	vld [tilespmem:s19+$0xFFFFFFF0];
	[tilespmem:s16+$0x1020 ss:$0x81] =	vst.msk $0xffff, v0;
	(pc) =	sbr.rel @p1 .LBB1_3-.Ltmp3, $4  }
0x34: {  	v0 =	vld [tilespmem:s19+$0x0];
	[tilespmem:s16+$0x0 ss:$0x81] =	vst.msk $0xffff, v1  }
0x35: {  	s16 =	sshra.s32 s20, $0x2;
	v1 =	vld [tilespmem:s19+$0xFFFFFFE0]  }
0x36: {  	s16 =	sadd.s32 s16, s17  }
0x37: {  	s19 =	sadd.s32 $0x40, s19;
	[tilespmem:s16+$0x1830 ss:$0x81] =	vst.msk $0xffff, v3  }
.Ltmp4:
0x38: {  	_ = 	snop;
	(pc) =	sbr.rel .LBB1_4-.Ltmp4, $1  }
0x39: {  	_ =	sdelay $0x3  }
.LBB1_6:
0x3a: {  	_ =	sfence.sel $0x180000  }
0x3b: {  	s2 =	simm.s32 $0x1;
	[bflag:$0x0] =	sbarrier.arrive $0xFFFF  }
0x3c: {  	s31 =	simm.s32 $0x2;
	[sflag:s2] =	ssyncpa.u1 $0x1  }
0x3d: {  	[sflag:s31] =	ssyncpa.u1 $0x1  }
0x3e: {  	p0 =	sne.s32 s0, $0x0;
	_ =	strace $0x9000004D  }
0x3f: {  	s0 =	sadd.s32 @!p0 $0x100000, s1;
	[bflag:$0x2] =	sbarrier.arrive $0xFFFF  }
0x40: {  	[sflag:s0] =	ssyncadd.tile.s32 @!p0 $0x1;
	_ =	shalt  }
.Lfunc_end1:
_tile_overlayer_lowered:
.L_overlay_start_2:
0x41: {  	(tag) =	ssettag $0x2  }
0x42: {  	s0 =	rddreg [dreg:$0x0];
	s2 =	stileid.u32  }
0x43: {  	s1 =	rddreg [dreg:$0x1];
	p0 =	sne.s32 s2, $0x0  }
0x44: {  	s3 =	rddreg [dreg:$0x2];
	[bflag:$0x3] =	sbarrier.arrive $0xFFFF;
	s2 =	simm.s32 @!p0 $0x1C01  }
0x45: {  	[timem:s3], [sflag:s2] =	dma.local @!p0 [hbm:s0], s1  }
0x46: {  	s0 =	simm.s32 @!p0 $0x1  }
0x47: {  	_ =	swait.ge @!p0 [sflag:s0], s1  }
0x48: {  	s1 =	ssub.s32 @!p0 $0x0, s1;
	[sflag:s0] =	ssyncset.done @!p0 $0x0  }
0x49: {  	[sflag:s0] =	ssyncadd.s32 @!p0 s1  }
0x4a: {  	[bflag:$0x3] =	sbarrier.arrive $0xFFFF  }
0x4b: {  	_ =	shalt  }

</sc_bundles>
